<compile_context>
chip_gen: v7x
topology: tpu7x:2x2x1
jax: 0.10.2.dev20260603
libtpu: 0.0.44.dev20260713+nightly
codegen_flags: <defaults>
</compile_context>

<pallas_src>
import functools

import jax
import jax.numpy as jnp
from jax import lax
from jax.experimental import pallas as pl
from jax.experimental.pallas import tpu as pltpu
from jax.experimental.pallas import tpu_sc as plsc

EMBED = 128
BLOCK = 128
NB = 5
AHEAD = 4


def _gather_body(nc, hist, ids_hbm, table_hbm, out_hbm, idx_v, *scratch):
    rows = scratch[:NB]
    gs = scratch[NB:2 * NB]
    ws = scratch[2 * NB:]
    wid = lax.axis_index("s") * nc + lax.axis_index("c")
    base = wid * BLOCK
    pltpu.sync_copy(ids_hbm.at[wid], idx_v)

    def fire_gather(t, b):
        pltpu.async_copy(table_hbm.at[idx_v.at[t]], rows[b], gs[b])

    def drain_gather(b):
        pltpu.make_async_copy(out_hbm.at[0, pl.ds(base, BLOCK)], rows[b],
                              gs[b]).wait()

    def fire_write(t, b):
        pltpu.async_copy(rows[b], out_hbm.at[t, pl.ds(base, BLOCK)], ws[b])

    def drain_write(b):
        pltpu.make_async_copy(rows[b], out_hbm.at[0, pl.ds(base, BLOCK)],
                              ws[b]).wait()

    for t in range(AHEAD):
        fire_gather(t, t)

    @pl.loop(0, hist, step=NB)
    def _(g):
        for i in range(NB):
            t = g + i
            bf = (i + AHEAD) % NB

            @pl.when(t + AHEAD < hist)
            def _():
                @pl.when(t >= NB - AHEAD)
                def _():
                    drain_write(bf)
                fire_gather(t + AHEAD, bf)

            drain_gather(i)
            fire_write(t, i)

    for b in range(NB):
        drain_write(b)


def kernel(input_ids, weight):
    batch, hist = input_ids.shape
    info = plsc.get_sparse_core_info()
    nw = info.num_cores * info.num_subcores
    assert batch == nw * BLOCK
    assert hist % NB == 0

    ids_w = jnp.transpose(
        input_ids.astype(jnp.int32).reshape(nw, BLOCK, hist), (0, 2, 1))
    mesh = plsc.VectorSubcoreMesh(core_axis_name="c", subcore_axis_name="s")

    run = pl.kernel(
        functools.partial(_gather_body, info.num_cores, hist),
        out_type=jax.ShapeDtypeStruct((hist, batch, EMBED), jnp.float32),
        mesh=mesh,
        scratch_types=(
            [pltpu.VMEM((hist, BLOCK), jnp.int32)]
            + [pltpu.VMEM((BLOCK, EMBED), jnp.float32) for _ in range(NB)]
            + [pltpu.SemaphoreType.DMA for _ in range(2 * NB)]
        ),
    )
    out = run(ids_w, weight)
    return jnp.transpose(out, (1, 0, 2))

# --- scband reference (transcript-rebuilt; emitter-appended) ---
"""Pipeline reference for scband-vocab-parallel-embedding-23828478558361 (READ-ONLY COPY).

The authoritative reference and input builder live on the scoring server;
editing this copy changes nothing except your own understanding.
"""

import jax, jax.numpy as jnp
import numpy as np

VOCAB = 100000
EMBED_DIM = 128
BATCH = 4096
HIST = 50

# Single-shard simulation: tp_world_size=1 -> vocab_start_idx=0, local_num_embeddings=VOCAB,
# and the all-reduce over a 1-member group is the identity.

def setup_inputs(seed: int = 0) -> dict:
    key = jax.random.key(seed)
    k1, k2 = jax.random.split(key)
    input_ids = jax.random.randint(k1, (BATCH, HIST), 0, VOCAB, dtype=jnp.int64)
    weight = jax.random.normal(k2, (VOCAB, EMBED_DIM), dtype=jnp.float32) * 0.02
    return {"input_ids": input_ids, "weight": weight}


def reference(input_ids, weight):
    vocab_start_idx = 0
    local_num_embeddings = weight.shape[0]
    vocab_end_idx = vocab_start_idx + local_num_embeddings
    local_mask = (input_ids >= vocab_start_idx) & (input_ids < vocab_end_idx)
    local_ids = input_ids - vocab_start_idx
    clamped_local_ids = jnp.clip(local_ids, 0, local_num_embeddings - 1)
    local_output = jnp.take(weight, clamped_local_ids, axis=0)
    local_output = local_output * local_mask.astype(jnp.float32)[..., None]
    # DifferentiableAllReduce over a world-size-1 group is the identity.
    return local_output

if __name__ == "__main__":
    import jax
    _d = setup_inputs()
    print(jax.jit(kernel)(*tuple(_d.values())))

</pallas_src>

<mosaic_0001>
#map = affine_map<(d0, d1) -> (0, 0, 0)>
#map1 = affine_map<(d0, d1) -> (0, 0)>
module attributes {stable_mosaic.version = 14 : i64} {
  func.func @_gather_body(%arg0: i32, %arg1: i32, %arg2: memref<32x50x128xi32, #tpu.memory_space<hbm>>, %arg3: memref<100000x128xf32, #tpu.memory_space<hbm>>, %arg4: memref<50x4096x128xf32, #tpu.memory_space<hbm>>, %arg5: memref<50x128xi32, #tpu.memory_space<vmem>>, %arg6: memref<128x128xf32, #tpu.memory_space<vmem>>, %arg7: memref<128x128xf32, #tpu.memory_space<vmem>>, %arg8: memref<128x128xf32, #tpu.memory_space<vmem>>, %arg9: memref<128x128xf32, #tpu.memory_space<vmem>>, %arg10: memref<128x128xf32, #tpu.memory_space<vmem>>, %arg11: memref<!tpu.dma_semaphore, #tpu.memory_space<semaphore_mem>>, %arg12: memref<!tpu.dma_semaphore, #tpu.memory_space<semaphore_mem>>, %arg13: memref<!tpu.dma_semaphore, #tpu.memory_space<semaphore_mem>>, %arg14: memref<!tpu.dma_semaphore, #tpu.memory_space<semaphore_mem>>, %arg15: memref<!tpu.dma_semaphore, #tpu.memory_space<semaphore_mem>>, %arg16: memref<!tpu.dma_semaphore, #tpu.memory_space<semaphore_mem>>, %arg17: memref<!tpu.dma_semaphore, #tpu.memory_space<semaphore_mem>>, %arg18: memref<!tpu.dma_semaphore, #tpu.memory_space<semaphore_mem>>, %arg19: memref<!tpu.dma_semaphore, #tpu.memory_space<semaphore_mem>>, %arg20: memref<!tpu.dma_semaphore, #tpu.memory_space<semaphore_mem>>) attributes {dimension_semantics = [#tpu.dimension_semantics<core_parallel>, #tpu.dimension_semantics<subcore_parallel>], iteration_bounds = array<i64: 2, 16>, scalar_prefetch = 0 : i64, scratch_operands = 16 : i64, tpu.core_type = #tpu.core_type<sc_vector_subcore>, window_params = [{transform_indices = #map}, {transform_indices = #map1}, {transform_indices = #map}]} {
    %mul3A = arith.constant 2 : i32
    %mul3A_0 = arith.muli %arg1, %mul3A : i32
    %add3A = arith.addi %mul3A_0, %arg0 : i32
    %mul3A_1 = arith.constant 128 : i32
    %mul3A_2 = arith.muli %add3A, %mul3A_1 : i32
    "tpu.region"() ({
      %run_scoped3A = tpu.sem_alloc : memref<!tpu.dma_semaphore, #tpu.memory_space<semaphore_mem>>
      %dma_start3A_68 = arith.constant 0 : i32
      %dma_start3A_69 = arith.constant 0 : i32
      %dma_start3A_70 = tpu.memref_slice %arg2[%add3A, %dma_start3A_68, %dma_start3A_69] : memref<32x50x128xi32, #tpu.memory_space<hbm>> -> memref<1x50x128xi32, #tpu.memory_space<hbm>>
      %dma_start3A_71 = tpu.memref_squeeze %dma_start3A_70 : memref<1x50x128xi32, #tpu.memory_space<hbm>> -> memref<50x128xi32, #tpu.memory_space<hbm>>
      %dma_start3A_72 = arith.constant 0 : i32
      %dma_start3A_73 = arith.constant 0 : i32
      %dma_start3A_74 = tpu.memref_slice %arg2[%add3A, %dma_start3A_72, %dma_start3A_73] : memref<32x50x128xi32, #tpu.memory_space<hbm>> -> memref<1x50x128xi32, #tpu.memory_space<hbm>>
      %dma_start3A_75 = tpu.memref_squeeze %dma_start3A_74 : memref<1x50x128xi32, #tpu.memory_space<hbm>> -> memref<50x128xi32, #tpu.memory_space<hbm>>
      tpu.enqueue_dma source(%dma_start3A_75 : memref<50x128xi32, #tpu.memory_space<hbm>>) target(%arg5 : memref<50x128xi32, #tpu.memory_space<vmem>>) target_semaphore(%run_scoped3A : memref<!tpu.dma_semaphore, #tpu.memory_space<semaphore_mem>>)
      %dma_wait3A_76 = arith.constant 0 : i32
      %dma_wait3A_77 = arith.constant 0 : i32
      %dma_wait3A_78 = tpu.memref_slice %arg2[%add3A, %dma_wait3A_76, %dma_wait3A_77] : memref<32x50x128xi32, #tpu.memory_space<hbm>> -> memref<1x50x128xi32, #tpu.memory_space<hbm>>
      %dma_wait3A_79 = tpu.memref_squeeze %dma_wait3A_78 : memref<1x50x128xi32, #tpu.memory_space<hbm>> -> memref<50x128xi32, #tpu.memory_space<hbm>>
      %dma_wait3A_80 = arith.constant 0 : i32
      %dma_wait3A_81 = arith.constant 0 : i32
      %dma_wait3A_82 = tpu.memref_slice %arg2[%add3A, %dma_wait3A_80, %dma_wait3A_81] : memref<32x50x128xi32, #tpu.memory_space<hbm>> -> memref<1x50x128xi32, #tpu.memory_space<hbm>>
      %dma_wait3A_83 = tpu.memref_squeeze %dma_wait3A_82 : memref<1x50x128xi32, #tpu.memory_space<hbm>> -> memref<50x128xi32, #tpu.memory_space<hbm>>
      tpu.wait_dma2 semaphore(%run_scoped3A : memref<!tpu.dma_semaphore, #tpu.memory_space<semaphore_mem>>) src(%dma_wait3A_83 : memref<50x128xi32, #tpu.memory_space<hbm>>) dst(%arg5 : memref<50x128xi32, #tpu.memory_space<vmem>>)
      tpu.yield
    }) : () -> ()
    %dma_start3A = arith.constant 0 : i32
    %dma_start3A_3 = arith.constant 0 : i32
    %dma_start3A_4 = tpu.memref_slice %arg5[%dma_start3A, %dma_start3A_3] : memref<50x128xi32, #tpu.memory_space<vmem>> -> memref<1x128xi32, #tpu.memory_space<vmem>>
    %dma_start3A_5 = tpu.memref_squeeze %dma_start3A_4 : memref<1x128xi32, #tpu.memory_space<vmem>> -> memref<128xi32, #tpu.memory_space<vmem>>
    %dma_start3A_6 = arith.constant 0 : i32
    %dma_start3A_7 = arith.constant 0 : i32
    %dma_start3A_8 = tpu.memref_slice %arg3[%dma_start3A_6, %dma_start3A_7] : memref<100000x128xf32, #tpu.memory_space<hbm>> -> memref<100000x128xf32, #tpu.memory_space<hbm>>
    tpu.enqueue_indirect_dma source(%dma_start3A_8 : memref<100000x128xf32, #tpu.memory_space<hbm>>) target(%arg6 : memref<128x128xf32, #tpu.memory_space<vmem>>) offsets(%dma_start3A_5 : memref<128xi32, #tpu.memory_space<vmem>>) semaphore(%arg11 : memref<!tpu.dma_semaphore, #tpu.memory_space<semaphore_mem>>)
    %dma_start3A_9 = arith.constant 1 : i32
    %dma_start3A_10 = arith.constant 0 : i32
    %dma_start3A_11 = tpu.memref_slice %arg5[%dma_start3A_9, %dma_start3A_10] : memref<50x128xi32, #tpu.memory_space<vmem>> -> memref<1x128xi32, #tpu.memory_space<vmem>>
    %dma_start3A_12 = tpu.memref_squeeze %dma_start3A_11 : memref<1x128xi32, #tpu.memory_space<vmem>> -> memref<128xi32, #tpu.memory_space<vmem>>
    %dma_start3A_13 = arith.constant 0 : i32
    %dma_start3A_14 = arith.constant 0 : i32
    %dma_start3A_15 = tpu.memref_slice %arg3[%dma_start3A_13, %dma_start3A_14] : memref<100000x128xf32, #tpu.memory_space<hbm>> -> memref<100000x128xf32, #tpu.memory_space<hbm>>
    tpu.enqueue_indirect_dma source(%dma_start3A_15 : memref<100000x128xf32, #tpu.memory_space<hbm>>) target(%arg7 : memref<128x128xf32, #tpu.memory_space<vmem>>) offsets(%dma_start3A_12 : memref<128xi32, #tpu.memory_space<vmem>>) semaphore(%arg12 : memref<!tpu.dma_semaphore, #tpu.memory_space<semaphore_mem>>)
    %dma_start3A_16 = arith.constant 2 : i32
    %dma_start3A_17 = arith.constant 0 : i32
    %dma_start3A_18 = tpu.memref_slice %arg5[%dma_start3A_16, %dma_start3A_17] : memref<50x128xi32, #tpu.memory_space<vmem>> -> memref<1x128xi32, #tpu.memory_space<vmem>>
    %dma_start3A_19 = tpu.memref_squeeze %dma_start3A_18 : memref<1x128xi32, #tpu.memory_space<vmem>> -> memref<128xi32, #tpu.memory_space<vmem>>
    %dma_start3A_20 = arith.constant 0 : i32
    %dma_start3A_21 = arith.constant 0 : i32
    %dma_start3A_22 = tpu.memref_slice %arg3[%dma_start3A_20, %dma_start3A_21] : memref<100000x128xf32, #tpu.memory_space<hbm>> -> memref<100000x128xf32, #tpu.memory_space<hbm>>
    tpu.enqueue_indirect_dma source(%dma_start3A_22 : memref<100000x128xf32, #tpu.memory_space<hbm>>) target(%arg8 : memref<128x128xf32, #tpu.memory_space<vmem>>) offsets(%dma_start3A_19 : memref<128xi32, #tpu.memory_space<vmem>>) semaphore(%arg13 : memref<!tpu.dma_semaphore, #tpu.memory_space<semaphore_mem>>)
    %dma_start3A_23 = arith.constant 3 : i32
    %dma_start3A_24 = arith.constant 0 : i32
    %dma_start3A_25 = tpu.memref_slice %arg5[%dma_start3A_23, %dma_start3A_24] : memref<50x128xi32, #tpu.memory_space<vmem>> -> memref<1x128xi32, #tpu.memory_space<vmem>>
    %dma_start3A_26 = tpu.memref_squeeze %dma_start3A_25 : memref<1x128xi32, #tpu.memory_space<vmem>> -> memref<128xi32, #tpu.memory_space<vmem>>
    %dma_start3A_27 = arith.constant 0 : i32
    %dma_start3A_28 = arith.constant 0 : i32
    %dma_start3A_29 = tpu.memref_slice %arg3[%dma_start3A_27, %dma_start3A_28] : memref<100000x128xf32, #tpu.memory_space<hbm>> -> memref<100000x128xf32, #tpu.memory_space<hbm>>
    tpu.enqueue_indirect_dma source(%dma_start3A_29 : memref<100000x128xf32, #tpu.memory_space<hbm>>) target(%arg9 : memref<128x128xf32, #tpu.memory_space<vmem>>) offsets(%dma_start3A_26 : memref<128xi32, #tpu.memory_space<vmem>>) semaphore(%arg14 : memref<!tpu.dma_semaphore, #tpu.memory_space<semaphore_mem>>)
    %scan3A = arith.constant 0 : i32
    %scan3A_30 = arith.constant 10 : i32
    %scan3A_31 = arith.addi %scan3A, %scan3A_30 : i32
    %scan3A_32 = arith.constant 1 : i32
    scf.for %scan3A_68 = %scan3A to %scan3A_31 step %scan3A_32  : i32 {
      %mul3A_69 = arith.constant 5 : i32
      %mul3A_70 = arith.muli %scan3A_68, %mul3A_69 : i32
      %add3A_71 = arith.constant 0 : i32
      %add3A_72 = arith.addi %add3A_71, %mul3A_70 : i32
      %add3A_73 = arith.constant 0 : i32
      %add3A_74 = arith.addi %add3A_72, %add3A_73 : i32
      %add3A_75 = arith.constant 4 : i32
      %add3A_76 = arith.addi %add3A_74, %add3A_75 : i32
      %lt3A = arith.constant 50 : i32
      %lt3A_77 = arith.cmpi slt, %add3A_76, %lt3A : i32
      %convert_element_type3A = arith.extui %lt3A_77 : i1 to i32
      %cond3A = arith.constant 0 : i32
      %cond3A_78 = arith.cmpi ne, %convert_element_type3A, %cond3A : i32
      scf.if %cond3A_78 {
        %ge3A = arith.constant 1 : i32
        %ge3A_180 = arith.cmpi sge, %add3A_74, %ge3A : i32
        %convert_element_type3A_181 = arith.extui %ge3A_180 : i1 to i32
        %cond3A_182 = arith.constant 0 : i32
        %cond3A_183 = arith.cmpi ne, %convert_element_type3A_181, %cond3A_182 : i32
        scf.if %cond3A_183 {
          %dma_wait3A_192 = arith.constant 0 : i32
          %dma_wait3A_193 = arith.constant 0 : i32
          %dma_wait3A_194 = tpu.memref_slice %arg4[%dma_wait3A_192, %mul3A_2, %dma_wait3A_193] : memref<50x4096x128xf32, #tpu.memory_space<hbm>> -> memref<1x128x128xf32, #tpu.memory_space<hbm>>
          %dma_wait3A_195 = tpu.memref_squeeze %dma_wait3A_194 : memref<1x128x128xf32, #tpu.memory_space<hbm>> -> memref<128x128xf32, #tpu.memory_space<hbm>>
          %dma_wait3A_196 = arith.constant 0 : i32
          %dma_wait3A_197 = tpu.memref_slice %arg4[%dma_wait3A_192, %mul3A_2, %dma_wait3A_196] : memref<50x4096x128xf32, #tpu.memory_space<hbm>> -> memref<1x128x128xf32, #tpu.memory_space<hbm>>
          %dma_wait3A_198 = tpu.memref_squeeze %dma_wait3A_197 : memref<1x128x128xf32, #tpu.memory_space<hbm>> -> memref<128x128xf32, #tpu.memory_space<hbm>>
          tpu.wait_dma2 semaphore(%arg20 : memref<!tpu.dma_semaphore, #tpu.memory_space<semaphore_mem>>) src(%arg10 : memref<128x128xf32, #tpu.memory_space<vmem>>) dst(%dma_wait3A_198 : memref<128x128xf32, #tpu.memory_space<hbm>>)
        } else {
        }
        %add3A_184 = arith.constant 4 : i32
        %add3A_185 = arith.addi %add3A_74, %add3A_184 : i32
        %dma_start3A_186 = arith.constant 0 : i32
        %dma_start3A_187 = tpu.memref_slice %arg5[%add3A_185, %dma_start3A_186] : memref<50x128xi32, #tpu.memory_space<vmem>> -> memref<1x128xi32, #tpu.memory_space<vmem>>
        %dma_start3A_188 = tpu.memref_squeeze %dma_start3A_187 : memref<1x128xi32, #tpu.memory_space<vmem>> -> memref<128xi32, #tpu.memory_space<vmem>>
        %dma_start3A_189 = arith.constant 0 : i32
        %dma_start3A_190 = arith.constant 0 : i32
        %dma_start3A_191 = tpu.memref_slice %arg3[%dma_start3A_189, %dma_start3A_190] : memref<100000x128xf32, #tpu.memory_space<hbm>> -> memref<100000x128xf32, #tpu.memory_space<hbm>>
        tpu.enqueue_indirect_dma source(%dma_start3A_191 : memref<100000x128xf32, #tpu.memory_space<hbm>>) target(%arg10 : memref<128x128xf32, #tpu.memory_space<vmem>>) offsets(%dma_start3A_188 : memref<128xi32, #tpu.memory_space<vmem>>) semaphore(%arg15 : memref<!tpu.dma_semaphore, #tpu.memory_space<semaphore_mem>>)
      } else {
      }
      %dma_wait3A_79 = arith.constant 0 : i32
      %dma_wait3A_80 = arith.constant 0 : i32
      %dma_wait3A_81 = tpu.memref_slice %arg4[%dma_wait3A_79, %mul3A_2, %dma_wait3A_80] : memref<50x4096x128xf32, #tpu.memory_space<hbm>> -> memref<1x128x128xf32, #tpu.memory_space<hbm>>
      %dma_wait3A_82 = tpu.memref_squeeze %dma_wait3A_81 : memref<1x128x128xf32, #tpu.memory_space<hbm>> -> memref<128x128xf32, #tpu.memory_space<hbm>>
      %dma_wait3A_83 = arith.constant 0 : i32
      %dma_wait3A_84 = tpu.memref_slice %arg4[%dma_wait3A_79, %mul3A_2, %dma_wait3A_83] : memref<50x4096x128xf32, #tpu.memory_space<hbm>> -> memref<1x128x128xf32, #tpu.memory_space<hbm>>
      %dma_wait3A_85 = tpu.memref_squeeze %dma_wait3A_84 : memref<1x128x128xf32, #tpu.memory_space<hbm>> -> memref<128x128xf32, #tpu.memory_space<hbm>>
      tpu.wait_dma2 semaphore(%arg11 : memref<!tpu.dma_semaphore, #tpu.memory_space<semaphore_mem>>) src(%dma_wait3A_85 : memref<128x128xf32, #tpu.memory_space<hbm>>) dst(%arg6 : memref<128x128xf32, #tpu.memory_space<vmem>>)
      %dma_start3A_86 = arith.constant 0 : i32
      %dma_start3A_87 = tpu.memref_slice %arg4[%add3A_74, %mul3A_2, %dma_start3A_86] : memref<50x4096x128xf32, #tpu.memory_space<hbm>> -> memref<1x128x128xf32, #tpu.memory_space<hbm>>
      %dma_start3A_88 = tpu.memref_squeeze %dma_start3A_87 : memref<1x128x128xf32, #tpu.memory_space<hbm>> -> memref<128x128xf32, #tpu.memory_space<hbm>>
      %dma_start3A_89 = arith.constant 0 : i32
      %dma_start3A_90 = tpu.memref_slice %arg4[%add3A_74, %mul3A_2, %dma_start3A_89] : memref<50x4096x128xf32, #tpu.memory_space<hbm>> -> memref<1x128x128xf32, #tpu.memory_space<hbm>>
      %dma_start3A_91 = tpu.memref_squeeze %dma_start3A_90 : memref<1x128x128xf32, #tpu.memory_space<hbm>> -> memref<128x128xf32, #tpu.memory_space<hbm>>
      tpu.enqueue_dma source(%arg6 : memref<128x128xf32, #tpu.memory_space<vmem>>) target(%dma_start3A_91 : memref<128x128xf32, #tpu.memory_space<hbm>>) target_semaphore(%arg16 : memref<!tpu.dma_semaphore, #tpu.memory_space<semaphore_mem>>)
      %add3A_92 = arith.constant 1 : i32
      %add3A_93 = arith.addi %add3A_72, %add3A_92 : i32
      %add3A_94 = arith.constant 4 : i32
      %add3A_95 = arith.addi %add3A_93, %add3A_94 : i32
      %lt3A_96 = arith.constant 50 : i32
      %lt3A_97 = arith.cmpi slt, %add3A_95, %lt3A_96 : i32
      %convert_element_type3A_98 = arith.extui %lt3A_97 : i1 to i32
      %cond3A_99 = arith.constant 0 : i32
      %cond3A_100 = arith.cmpi ne, %convert_element_type3A_98, %cond3A_99 : i32
      scf.if %cond3A_100 {
        %ge3A = arith.constant 1 : i32
        %ge3A_180 = arith.cmpi sge, %add3A_93, %ge3A : i32
        %convert_element_type3A_181 = arith.extui %ge3A_180 : i1 to i32
        %cond3A_182 = arith.constant 0 : i32
        %cond3A_183 = arith.cmpi ne, %convert_element_type3A_181, %cond3A_182 : i32
        scf.if %cond3A_183 {
          %dma_wait3A_192 = arith.constant 0 : i32
          %dma_wait3A_193 = arith.constant 0 : i32
          %dma_wait3A_194 = tpu.memref_slice %arg4[%dma_wait3A_192, %mul3A_2, %dma_wait3A_193] : memref<50x4096x128xf32, #tpu.memory_space<hbm>> -> memref<1x128x128xf32, #tpu.memory_space<hbm>>
          %dma_wait3A_195 = tpu.memref_squeeze %dma_wait3A_194 : memref<1x128x128xf32, #tpu.memory_space<hbm>> -> memref<128x128xf32, #tpu.memory_space<hbm>>
          %dma_wait3A_196 = arith.constant 0 : i32
          %dma_wait3A_197 = tpu.memref_slice %arg4[%dma_wait3A_192, %mul3A_2, %dma_wait3A_196] : memref<50x4096x128xf32, #tpu.memory_space<hbm>> -> memref<1x128x128xf32, #tpu.memory_space<hbm>>
          %dma_wait3A_198 = tpu.memref_squeeze %dma_wait3A_197 : memref<1x128x128xf32, #tpu.memory_space<hbm>> -> memref<128x128xf32, #tpu.memory_space<hbm>>
          tpu.wait_dma2 semaphore(%arg16 : memref<!tpu.dma_semaphore, #tpu.memory_space<semaphore_mem>>) src(%arg6 : memref<128x128xf32, #tpu.memory_space<vmem>>) dst(%dma_wait3A_198 : memref<128x128xf32, #tpu.memory_space<hbm>>)
        } else {
        }
        %add3A_184 = arith.constant 4 : i32
        %add3A_185 = arith.addi %add3A_93, %add3A_184 : i32
        %dma_start3A_186 = arith.constant 0 : i32
        %dma_start3A_187 = tpu.memref_slice %arg5[%add3A_185, %dma_start3A_186] : memref<50x128xi32, #tpu.memory_space<vmem>> -> memref<1x128xi32, #tpu.memory_space<vmem>>
        %dma_start3A_188 = tpu.memref_squeeze %dma_start3A_187 : memref<1x128xi32, #tpu.memory_space<vmem>> -> memref<128xi32, #tpu.memory_space<vmem>>
        %dma_start3A_189 = arith.constant 0 : i32
        %dma_start3A_190 = arith.constant 0 : i32
        %dma_start3A_191 = tpu.memref_slice %arg3[%dma_start3A_189, %dma_start3A_190] : memref<100000x128xf32, #tpu.memory_space<hbm>> -> memref<100000x128xf32, #tpu.memory_space<hbm>>
        tpu.enqueue_indirect_dma source(%dma_start3A_191 : memref<100000x128xf32, #tpu.memory_space<hbm>>) target(%arg6 : memref<128x128xf32, #tpu.memory_space<vmem>>) offsets(%dma_start3A_188 : memref<128xi32, #tpu.memory_space<vmem>>) semaphore(%arg11 : memref<!tpu.dma_semaphore, #tpu.memory_space<semaphore_mem>>)
      } else {
      }
      %dma_wait3A_101 = arith.constant 0 : i32
      %dma_wait3A_102 = arith.constant 0 : i32
      %dma_wait3A_103 = tpu.memref_slice %arg4[%dma_wait3A_101, %mul3A_2, %dma_wait3A_102] : memref<50x4096x128xf32, #tpu.memory_space<hbm>> -> memref<1x128x128xf32, #tpu.memory_space<hbm>>
      %dma_wait3A_104 = tpu.memref_squeeze %dma_wait3A_103 : memref<1x128x128xf32, #tpu.memory_space<hbm>> -> memref<128x128xf32, #tpu.memory_space<hbm>>
      %dma_wait3A_105 = arith.constant 0 : i32
      %dma_wait3A_106 = tpu.memref_slice %arg4[%dma_wait3A_101, %mul3A_2, %dma_wait3A_105] : memref<50x4096x128xf32, #tpu.memory_space<hbm>> -> memref<1x128x128xf32, #tpu.memory_space<hbm>>
      %dma_wait3A_107 = tpu.memref_squeeze %dma_wait3A_106 : memref<1x128x128xf32, #tpu.memory_space<hbm>> -> memref<128x128xf32, #tpu.memory_space<hbm>>
      tpu.wait_dma2 semaphore(%arg12 : memref<!tpu.dma_semaphore, #tpu.memory_space<semaphore_mem>>) src(%dma_wait3A_107 : memref<128x128xf32, #tpu.memory_space<hbm>>) dst(%arg7 : memref<128x128xf32, #tpu.memory_space<vmem>>)
      %dma_start3A_108 = arith.constant 0 : i32
      %dma_start3A_109 = tpu.memref_slice %arg4[%add3A_93, %mul3A_2, %dma_start3A_108] : memref<50x4096x128xf32, #tpu.memory_space<hbm>> -> memref<1x128x128xf32, #tpu.memory_space<hbm>>
      %dma_start3A_110 = tpu.memref_squeeze %dma_start3A_109 : memref<1x128x128xf32, #tpu.memory_space<hbm>> -> memref<128x128xf32, #tpu.memory_space<hbm>>
      %dma_start3A_111 = arith.constant 0 : i32
      %dma_start3A_112 = tpu.memref_slice %arg4[%add3A_93, %mul3A_2, %dma_start3A_111] : memref<50x4096x128xf32, #tpu.memory_space<hbm>> -> memref<1x128x128xf32, #tpu.memory_space<hbm>>
      %dma_start3A_113 = tpu.memref_squeeze %dma_start3A_112 : memref<1x128x128xf32, #tpu.memory_space<hbm>> -> memref<128x128xf32, #tpu.memory_space<hbm>>
      tpu.enqueue_dma source(%arg7 : memref<128x128xf32, #tpu.memory_space<vmem>>) target(%dma_start3A_113 : memref<128x128xf32, #tpu.memory_space<hbm>>) target_semaphore(%arg17 : memref<!tpu.dma_semaphore, #tpu.memory_space<semaphore_mem>>)
      %add3A_114 = arith.constant 2 : i32
      %add3A_115 = arith.addi %add3A_72, %add3A_114 : i32
      %add3A_116 = arith.constant 4 : i32
      %add3A_117 = arith.addi %add3A_115, %add3A_116 : i32
      %lt3A_118 = arith.constant 50 : i32
      %lt3A_119 = arith.cmpi slt, %add3A_117, %lt3A_118 : i32
      %convert_element_type3A_120 = arith.extui %lt3A_119 : i1 to i32
      %cond3A_121 = arith.constant 0 : i32
      %cond3A_122 = arith.cmpi ne, %convert_element_type3A_120, %cond3A_121 : i32
      scf.if %cond3A_122 {
        %ge3A = arith.constant 1 : i32
        %ge3A_180 = arith.cmpi sge, %add3A_115, %ge3A : i32
        %convert_element_type3A_181 = arith.extui %ge3A_180 : i1 to i32
        %cond3A_182 = arith.constant 0 : i32
        %cond3A_183 = arith.cmpi ne, %convert_element_type3A_181, %cond3A_182 : i32
        scf.if %cond3A_183 {
          %dma_wait3A_192 = arith.constant 0 : i32
          %dma_wait3A_193 = arith.constant 0 : i32
          %dma_wait3A_194 = tpu.memref_slice %arg4[%dma_wait3A_192, %mul3A_2, %dma_wait3A_193] : memref<50x4096x128xf32, #tpu.memory_space<hbm>> -> memref<1x128x128xf32, #tpu.memory_space<hbm>>
          %dma_wait3A_195 = tpu.memref_squeeze %dma_wait3A_194 : memref<1x128x128xf32, #tpu.memory_space<hbm>> -> memref<128x128xf32, #tpu.memory_space<hbm>>
          %dma_wait3A_196 = arith.constant 0 : i32
          %dma_wait3A_197 = tpu.memref_slice %arg4[%dma_wait3A_192, %mul3A_2, %dma_wait3A_196] : memref<50x4096x128xf32, #tpu.memory_space<hbm>> -> memref<1x128x128xf32, #tpu.memory_space<hbm>>
          %dma_wait3A_198 = tpu.memref_squeeze %dma_wait3A_197 : memref<1x128x128xf32, #tpu.memory_space<hbm>> -> memref<128x128xf32, #tpu.memory_space<hbm>>
          tpu.wait_dma2 semaphore(%arg17 : memref<!tpu.dma_semaphore, #tpu.memory_space<semaphore_mem>>) src(%arg7 : memref<128x128xf32, #tpu.memory_space<vmem>>) dst(%dma_wait3A_198 : memref<128x128xf32, #tpu.memory_space<hbm>>)
        } else {
        }
        %add3A_184 = arith.constant 4 : i32
        %add3A_185 = arith.addi %add3A_115, %add3A_184 : i32
        %dma_start3A_186 = arith.constant 0 : i32
        %dma_start3A_187 = tpu.memref_slice %arg5[%add3A_185, %dma_start3A_186] : memref<50x128xi32, #tpu.memory_space<vmem>> -> memref<1x128xi32, #tpu.memory_space<vmem>>
        %dma_start3A_188 = tpu.memref_squeeze %dma_start3A_187 : memref<1x128xi32, #tpu.memory_space<vmem>> -> memref<128xi32, #tpu.memory_space<vmem>>
        %dma_start3A_189 = arith.constant 0 : i32
        %dma_start3A_190 = arith.constant 0 : i32
        %dma_start3A_191 = tpu.memref_slice %arg3[%dma_start3A_189, %dma_start3A_190] : memref<100000x128xf32, #tpu.memory_space<hbm>> -> memref<100000x128xf32, #tpu.memory_space<hbm>>
        tpu.enqueue_indirect_dma source(%dma_start3A_191 : memref<100000x128xf32, #tpu.memory_space<hbm>>) target(%arg7 : memref<128x128xf32, #tpu.memory_space<vmem>>) offsets(%dma_start3A_188 : memref<128xi32, #tpu.memory_space<vmem>>) semaphore(%arg12 : memref<!tpu.dma_semaphore, #tpu.memory_space<semaphore_mem>>)
      } else {
      }
      %dma_wait3A_123 = arith.constant 0 : i32
      %dma_wait3A_124 = arith.constant 0 : i32
      %dma_wait3A_125 = tpu.memref_slice %arg4[%dma_wait3A_123, %mul3A_2, %dma_wait3A_124] : memref<50x4096x128xf32, #tpu.memory_space<hbm>> -> memref<1x128x128xf32, #tpu.memory_space<hbm>>
      %dma_wait3A_126 = tpu.memref_squeeze %dma_wait3A_125 : memref<1x128x128xf32, #tpu.memory_space<hbm>> -> memref<128x128xf32, #tpu.memory_space<hbm>>
      %dma_wait3A_127 = arith.constant 0 : i32
      %dma_wait3A_128 = tpu.memref_slice %arg4[%dma_wait3A_123, %mul3A_2, %dma_wait3A_127] : memref<50x4096x128xf32, #tpu.memory_space<hbm>> -> memref<1x128x128xf32, #tpu.memory_space<hbm>>
      %dma_wait3A_129 = tpu.memref_squeeze %dma_wait3A_128 : memref<1x128x128xf32, #tpu.memory_space<hbm>> -> memref<128x128xf32, #tpu.memory_space<hbm>>
      tpu.wait_dma2 semaphore(%arg13 : memref<!tpu.dma_semaphore, #tpu.memory_space<semaphore_mem>>) src(%dma_wait3A_129 : memref<128x128xf32, #tpu.memory_space<hbm>>) dst(%arg8 : memref<128x128xf32, #tpu.memory_space<vmem>>)
      %dma_start3A_130 = arith.constant 0 : i32
      %dma_start3A_131 = tpu.memref_slice %arg4[%add3A_115, %mul3A_2, %dma_start3A_130] : memref<50x4096x128xf32, #tpu.memory_space<hbm>> -> memref<1x128x128xf32, #tpu.memory_space<hbm>>
      %dma_start3A_132 = tpu.memref_squeeze %dma_start3A_131 : memref<1x128x128xf32, #tpu.memory_space<hbm>> -> memref<128x128xf32, #tpu.memory_space<hbm>>
      %dma_start3A_133 = arith.constant 0 : i32
      %dma_start3A_134 = tpu.memref_slice %arg4[%add3A_115, %mul3A_2, %dma_start3A_133] : memref<50x4096x128xf32, #tpu.memory_space<hbm>> -> memref<1x128x128xf32, #tpu.memory_space<hbm>>
      %dma_start3A_135 = tpu.memref_squeeze %dma_start3A_134 : memref<1x128x128xf32, #tpu.memory_space<hbm>> -> memref<128x128xf32, #tpu.memory_space<hbm>>
      tpu.enqueue_dma source(%arg8 : memref<128x128xf32, #tpu.memory_space<vmem>>) target(%dma_start3A_135 : memref<128x128xf32, #tpu.memory_space<hbm>>) target_semaphore(%arg18 : memref<!tpu.dma_semaphore, #tpu.memory_space<semaphore_mem>>)
      %add3A_136 = arith.constant 3 : i32
      %add3A_137 = arith.addi %add3A_72, %add3A_136 : i32
      %add3A_138 = arith.constant 4 : i32
      %add3A_139 = arith.addi %add3A_137, %add3A_138 : i32
      %lt3A_140 = arith.constant 50 : i32
      %lt3A_141 = arith.cmpi slt, %add3A_139, %lt3A_140 : i32
      %convert_element_type3A_142 = arith.extui %lt3A_141 : i1 to i32
      %cond3A_143 = arith.constant 0 : i32
      %cond3A_144 = arith.cmpi ne, %convert_element_type3A_142, %cond3A_143 : i32
      scf.if %cond3A_144 {
        %ge3A = arith.constant 1 : i32
        %ge3A_180 = arith.cmpi sge, %add3A_137, %ge3A : i32
        %convert_element_type3A_181 = arith.extui %ge3A_180 : i1 to i32
        %cond3A_182 = arith.constant 0 : i32
        %cond3A_183 = arith.cmpi ne, %convert_element_type3A_181, %cond3A_182 : i32
        scf.if %cond3A_183 {
          %dma_wait3A_192 = arith.constant 0 : i32
          %dma_wait3A_193 = arith.constant 0 : i32
          %dma_wait3A_194 = tpu.memref_slice %arg4[%dma_wait3A_192, %mul3A_2, %dma_wait3A_193] : memref<50x4096x128xf32, #tpu.memory_space<hbm>> -> memref<1x128x128xf32, #tpu.memory_space<hbm>>
          %dma_wait3A_195 = tpu.memref_squeeze %dma_wait3A_194 : memref<1x128x128xf32, #tpu.memory_space<hbm>> -> memref<128x128xf32, #tpu.memory_space<hbm>>
          %dma_wait3A_196 = arith.constant 0 : i32
          %dma_wait3A_197 = tpu.memref_slice %arg4[%dma_wait3A_192, %mul3A_2, %dma_wait3A_196] : memref<50x4096x128xf32, #tpu.memory_space<hbm>> -> memref<1x128x128xf32, #tpu.memory_space<hbm>>
          %dma_wait3A_198 = tpu.memref_squeeze %dma_wait3A_197 : memref<1x128x128xf32, #tpu.memory_space<hbm>> -> memref<128x128xf32, #tpu.memory_space<hbm>>
          tpu.wait_dma2 semaphore(%arg18 : memref<!tpu.dma_semaphore, #tpu.memory_space<semaphore_mem>>) src(%arg8 : memref<128x128xf32, #tpu.memory_space<vmem>>) dst(%dma_wait3A_198 : memref<128x128xf32, #tpu.memory_space<hbm>>)
        } else {
        }
        %add3A_184 = arith.constant 4 : i32
        %add3A_185 = arith.addi %add3A_137, %add3A_184 : i32
        %dma_start3A_186 = arith.constant 0 : i32
        %dma_start3A_187 = tpu.memref_slice %arg5[%add3A_185, %dma_start3A_186] : memref<50x128xi32, #tpu.memory_space<vmem>> -> memref<1x128xi32, #tpu.memory_space<vmem>>
        %dma_start3A_188 = tpu.memref_squeeze %dma_start3A_187 : memref<1x128xi32, #tpu.memory_space<vmem>> -> memref<128xi32, #tpu.memory_space<vmem>>
        %dma_start3A_189 = arith.constant 0 : i32
        %dma_start3A_190 = arith.constant 0 : i32
        %dma_start3A_191 = tpu.memref_slice %arg3[%dma_start3A_189, %dma_start3A_190] : memref<100000x128xf32, #tpu.memory_space<hbm>> -> memref<100000x128xf32, #tpu.memory_space<hbm>>
        tpu.enqueue_indirect_dma source(%dma_start3A_191 : memref<100000x128xf32, #tpu.memory_space<hbm>>) target(%arg8 : memref<128x128xf32, #tpu.memory_space<vmem>>) offsets(%dma_start3A_188 : memref<128xi32, #tpu.memory_space<vmem>>) semaphore(%arg13 : memref<!tpu.dma_semaphore, #tpu.memory_space<semaphore_mem>>)
      } else {
      }
      %dma_wait3A_145 = arith.constant 0 : i32
      %dma_wait3A_146 = arith.constant 0 : i32
      %dma_wait3A_147 = tpu.memref_slice %arg4[%dma_wait3A_145, %mul3A_2, %dma_wait3A_146] : memref<50x4096x128xf32, #tpu.memory_space<hbm>> -> memref<1x128x128xf32, #tpu.memory_space<hbm>>
      %dma_wait3A_148 = tpu.memref_squeeze %dma_wait3A_147 : memref<1x128x128xf32, #tpu.memory_space<hbm>> -> memref<128x128xf32, #tpu.memory_space<hbm>>
      %dma_wait3A_149 = arith.constant 0 : i32
      %dma_wait3A_150 = tpu.memref_slice %arg4[%dma_wait3A_145, %mul3A_2, %dma_wait3A_149] : memref<50x4096x128xf32, #tpu.memory_space<hbm>> -> memref<1x128x128xf32, #tpu.memory_space<hbm>>
      %dma_wait3A_151 = tpu.memref_squeeze %dma_wait3A_150 : memref<1x128x128xf32, #tpu.memory_space<hbm>> -> memref<128x128xf32, #tpu.memory_space<hbm>>
      tpu.wait_dma2 semaphore(%arg14 : memref<!tpu.dma_semaphore, #tpu.memory_space<semaphore_mem>>) src(%dma_wait3A_151 : memref<128x128xf32, #tpu.memory_space<hbm>>) dst(%arg9 : memref<128x128xf32, #tpu.memory_space<vmem>>)
      %dma_start3A_152 = arith.constant 0 : i32
      %dma_start3A_153 = tpu.memref_slice %arg4[%add3A_137, %mul3A_2, %dma_start3A_152] : memref<50x4096x128xf32, #tpu.memory_space<hbm>> -> memref<1x128x128xf32, #tpu.memory_space<hbm>>
      %dma_start3A_154 = tpu.memref_squeeze %dma_start3A_153 : memref<1x128x128xf32, #tpu.memory_space<hbm>> -> memref<128x128xf32, #tpu.memory_space<hbm>>
      %dma_start3A_155 = arith.constant 0 : i32
      %dma_start3A_156 = tpu.memref_slice %arg4[%add3A_137, %mul3A_2, %dma_start3A_155] : memref<50x4096x128xf32, #tpu.memory_space<hbm>> -> memref<1x128x128xf32, #tpu.memory_space<hbm>>
      %dma_start3A_157 = tpu.memref_squeeze %dma_start3A_156 : memref<1x128x128xf32, #tpu.memory_space<hbm>> -> memref<128x128xf32, #tpu.memory_space<hbm>>
      tpu.enqueue_dma source(%arg9 : memref<128x128xf32, #tpu.memory_space<vmem>>) target(%dma_start3A_157 : memref<128x128xf32, #tpu.memory_space<hbm>>) target_semaphore(%arg19 : memref<!tpu.dma_semaphore, #tpu.memory_space<semaphore_mem>>)
      %add3A_158 = arith.constant 4 : i32
      %add3A_159 = arith.addi %add3A_72, %add3A_158 : i32
      %add3A_160 = arith.constant 4 : i32
      %add3A_161 = arith.addi %add3A_159, %add3A_160 : i32
      %lt3A_162 = arith.constant 50 : i32
      %lt3A_163 = arith.cmpi slt, %add3A_161, %lt3A_162 : i32
      %convert_element_type3A_164 = arith.extui %lt3A_163 : i1 to i32
      %cond3A_165 = arith.constant 0 : i32
      %cond3A_166 = arith.cmpi ne, %convert_element_type3A_164, %cond3A_165 : i32
      scf.if %cond3A_166 {
        %ge3A = arith.constant 1 : i32
        %ge3A_180 = arith.cmpi sge, %add3A_159, %ge3A : i32
        %convert_element_type3A_181 = arith.extui %ge3A_180 : i1 to i32
        %cond3A_182 = arith.constant 0 : i32
        %cond3A_183 = arith.cmpi ne, %convert_element_type3A_181, %cond3A_182 : i32
        scf.if %cond3A_183 {
          %dma_wait3A_192 = arith.constant 0 : i32
          %dma_wait3A_193 = arith.constant 0 : i32
          %dma_wait3A_194 = tpu.memref_slice %arg4[%dma_wait3A_192, %mul3A_2, %dma_wait3A_193] : memref<50x4096x128xf32, #tpu.memory_space<hbm>> -> memref<1x128x128xf32, #tpu.memory_space<hbm>>
          %dma_wait3A_195 = tpu.memref_squeeze %dma_wait3A_194 : memref<1x128x128xf32, #tpu.memory_space<hbm>> -> memref<128x128xf32, #tpu.memory_space<hbm>>
          %dma_wait3A_196 = arith.constant 0 : i32
          %dma_wait3A_197 = tpu.memref_slice %arg4[%dma_wait3A_192, %mul3A_2, %dma_wait3A_196] : memref<50x4096x128xf32, #tpu.memory_space<hbm>> -> memref<1x128x128xf32, #tpu.memory_space<hbm>>
          %dma_wait3A_198 = tpu.memref_squeeze %dma_wait3A_197 : memref<1x128x128xf32, #tpu.memory_space<hbm>> -> memref<128x128xf32, #tpu.memory_space<hbm>>
          tpu.wait_dma2 semaphore(%arg19 : memref<!tpu.dma_semaphore, #tpu.memory_space<semaphore_mem>>) src(%arg9 : memref<128x128xf32, #tpu.memory_space<vmem>>) dst(%dma_wait3A_198 : memref<128x128xf32, #tpu.memory_space<hbm>>)
        } else {
        }
        %add3A_184 = arith.constant 4 : i32
        %add3A_185 = arith.addi %add3A_159, %add3A_184 : i32
        %dma_start3A_186 = arith.constant 0 : i32
        %dma_start3A_187 = tpu.memref_slice %arg5[%add3A_185, %dma_start3A_186] : memref<50x128xi32, #tpu.memory_space<vmem>> -> memref<1x128xi32, #tpu.memory_space<vmem>>
        %dma_start3A_188 = tpu.memref_squeeze %dma_start3A_187 : memref<1x128xi32, #tpu.memory_space<vmem>> -> memref<128xi32, #tpu.memory_space<vmem>>
        %dma_start3A_189 = arith.constant 0 : i32
        %dma_start3A_190 = arith.constant 0 : i32
        %dma_start3A_191 = tpu.memref_slice %arg3[%dma_start3A_189, %dma_start3A_190] : memref<100000x128xf32, #tpu.memory_space<hbm>> -> memref<100000x128xf32, #tpu.memory_space<hbm>>
        tpu.enqueue_indirect_dma source(%dma_start3A_191 : memref<100000x128xf32, #tpu.memory_space<hbm>>) target(%arg9 : memref<128x128xf32, #tpu.memory_space<vmem>>) offsets(%dma_start3A_188 : memref<128xi32, #tpu.memory_space<vmem>>) semaphore(%arg14 : memref<!tpu.dma_semaphore, #tpu.memory_space<semaphore_mem>>)
      } else {
      }
      %dma_wait3A_167 = arith.constant 0 : i32
      %dma_wait3A_168 = arith.constant 0 : i32
      %dma_wait3A_169 = tpu.memref_slice %arg4[%dma_wait3A_167, %mul3A_2, %dma_wait3A_168] : memref<50x4096x128xf32, #tpu.memory_space<hbm>> -> memref<1x128x128xf32, #tpu.memory_space<hbm>>
      %dma_wait3A_170 = tpu.memref_squeeze %dma_wait3A_169 : memref<1x128x128xf32, #tpu.memory_space<hbm>> -> memref<128x128xf32, #tpu.memory_space<hbm>>
      %dma_wait3A_171 = arith.constant 0 : i32
      %dma_wait3A_172 = tpu.memref_slice %arg4[%dma_wait3A_167, %mul3A_2, %dma_wait3A_171] : memref<50x4096x128xf32, #tpu.memory_space<hbm>> -> memref<1x128x128xf32, #tpu.memory_space<hbm>>
      %dma_wait3A_173 = tpu.memref_squeeze %dma_wait3A_172 : memref<1x128x128xf32, #tpu.memory_space<hbm>> -> memref<128x128xf32, #tpu.memory_space<hbm>>
      tpu.wait_dma2 semaphore(%arg15 : memref<!tpu.dma_semaphore, #tpu.memory_space<semaphore_mem>>) src(%dma_wait3A_173 : memref<128x128xf32, #tpu.memory_space<hbm>>) dst(%arg10 : memref<128x128xf32, #tpu.memory_space<vmem>>)
      %dma_start3A_174 = arith.constant 0 : i32
      %dma_start3A_175 = tpu.memref_slice %arg4[%add3A_159, %mul3A_2, %dma_start3A_174] : memref<50x4096x128xf32, #tpu.memory_space<hbm>> -> memref<1x128x128xf32, #tpu.memory_space<hbm>>
      %dma_start3A_176 = tpu.memref_squeeze %dma_start3A_175 : memref<1x128x128xf32, #tpu.memory_space<hbm>> -> memref<128x128xf32, #tpu.memory_space<hbm>>
      %dma_start3A_177 = arith.constant 0 : i32
      %dma_start3A_178 = tpu.memref_slice %arg4[%add3A_159, %mul3A_2, %dma_start3A_177] : memref<50x4096x128xf32, #tpu.memory_space<hbm>> -> memref<1x128x128xf32, #tpu.memory_space<hbm>>
      %dma_start3A_179 = tpu.memref_squeeze %dma_start3A_178 : memref<1x128x128xf32, #tpu.memory_space<hbm>> -> memref<128x128xf32, #tpu.memory_space<hbm>>
      tpu.enqueue_dma source(%arg10 : memref<128x128xf32, #tpu.memory_space<vmem>>) target(%dma_start3A_179 : memref<128x128xf32, #tpu.memory_space<hbm>>) target_semaphore(%arg20 : memref<!tpu.dma_semaphore, #tpu.memory_space<semaphore_mem>>)
    }
    %scan3A_33 = arith.constant 10 : i32
    %dma_wait3A = arith.constant 0 : i32
    %dma_wait3A_34 = arith.constant 0 : i32
    %dma_wait3A_35 = tpu.memref_slice %arg4[%dma_wait3A, %mul3A_2, %dma_wait3A_34] : memref<50x4096x128xf32, #tpu.memory_space<hbm>> -> memref<1x128x128xf32, #tpu.memory_space<hbm>>
    %dma_wait3A_36 = tpu.memref_squeeze %dma_wait3A_35 : memref<1x128x128xf32, #tpu.memory_space<hbm>> -> memref<128x128xf32, #tpu.memory_space<hbm>>
    %dma_wait3A_37 = arith.constant 0 : i32
    %dma_wait3A_38 = tpu.memref_slice %arg4[%dma_wait3A, %mul3A_2, %dma_wait3A_37] : memref<50x4096x128xf32, #tpu.memory_space<hbm>> -> memref<1x128x128xf32, #tpu.memory_space<hbm>>
    %dma_wait3A_39 = tpu.memref_squeeze %dma_wait3A_38 : memref<1x128x128xf32, #tpu.memory_space<hbm>> -> memref<128x128xf32, #tpu.memory_space<hbm>>
    tpu.wait_dma2 semaphore(%arg16 : memref<!tpu.dma_semaphore, #tpu.memory_space<semaphore_mem>>) src(%arg6 : memref<128x128xf32, #tpu.memory_space<vmem>>) dst(%dma_wait3A_39 : memref<128x128xf32, #tpu.memory_space<hbm>>)
    %dma_wait3A_40 = arith.constant 0 : i32
    %dma_wait3A_41 = arith.constant 0 : i32
    %dma_wait3A_42 = tpu.memref_slice %arg4[%dma_wait3A_40, %mul3A_2, %dma_wait3A_41] : memref<50x4096x128xf32, #tpu.memory_space<hbm>> -> memref<1x128x128xf32, #tpu.memory_space<hbm>>
    %dma_wait3A_43 = tpu.memref_squeeze %dma_wait3A_42 : memref<1x128x128xf32, #tpu.memory_space<hbm>> -> memref<128x128xf32, #tpu.memory_space<hbm>>
    %dma_wait3A_44 = arith.constant 0 : i32
    %dma_wait3A_45 = tpu.memref_slice %arg4[%dma_wait3A_40, %mul3A_2, %dma_wait3A_44] : memref<50x4096x128xf32, #tpu.memory_space<hbm>> -> memref<1x128x128xf32, #tpu.memory_space<hbm>>
    %dma_wait3A_46 = tpu.memref_squeeze %dma_wait3A_45 : memref<1x128x128xf32, #tpu.memory_space<hbm>> -> memref<128x128xf32, #tpu.memory_space<hbm>>
    tpu.wait_dma2 semaphore(%arg17 : memref<!tpu.dma_semaphore, #tpu.memory_space<semaphore_mem>>) src(%arg7 : memref<128x128xf32, #tpu.memory_space<vmem>>) dst(%dma_wait3A_46 : memref<128x128xf32, #tpu.memory_space<hbm>>)
    %dma_wait3A_47 = arith.constant 0 : i32
    %dma_wait3A_48 = arith.constant 0 : i32
    %dma_wait3A_49 = tpu.memref_slice %arg4[%dma_wait3A_47, %mul3A_2, %dma_wait3A_48] : memref<50x4096x128xf32, #tpu.memory_space<hbm>> -> memref<1x128x128xf32, #tpu.memory_space<hbm>>
    %dma_wait3A_50 = tpu.memref_squeeze %dma_wait3A_49 : memref<1x128x128xf32, #tpu.memory_space<hbm>> -> memref<128x128xf32, #tpu.memory_space<hbm>>
    %dma_wait3A_51 = arith.constant 0 : i32
    %dma_wait3A_52 = tpu.memref_slice %arg4[%dma_wait3A_47, %mul3A_2, %dma_wait3A_51] : memref<50x4096x128xf32, #tpu.memory_space<hbm>> -> memref<1x128x128xf32, #tpu.memory_space<hbm>>
    %dma_wait3A_53 = tpu.memref_squeeze %dma_wait3A_52 : memref<1x128x128xf32, #tpu.memory_space<hbm>> -> memref<128x128xf32, #tpu.memory_space<hbm>>
    tpu.wait_dma2 semaphore(%arg18 : memref<!tpu.dma_semaphore, #tpu.memory_space<semaphore_mem>>) src(%arg8 : memref<128x128xf32, #tpu.memory_space<vmem>>) dst(%dma_wait3A_53 : memref<128x128xf32, #tpu.memory_space<hbm>>)
    %dma_wait3A_54 = arith.constant 0 : i32
    %dma_wait3A_55 = arith.constant 0 : i32
    %dma_wait3A_56 = tpu.memref_slice %arg4[%dma_wait3A_54, %mul3A_2, %dma_wait3A_55] : memref<50x4096x128xf32, #tpu.memory_space<hbm>> -> memref<1x128x128xf32, #tpu.memory_space<hbm>>
    %dma_wait3A_57 = tpu.memref_squeeze %dma_wait3A_56 : memref<1x128x128xf32, #tpu.memory_space<hbm>> -> memref<128x128xf32, #tpu.memory_space<hbm>>
    %dma_wait3A_58 = arith.constant 0 : i32
    %dma_wait3A_59 = tpu.memref_slice %arg4[%dma_wait3A_54, %mul3A_2, %dma_wait3A_58] : memref<50x4096x128xf32, #tpu.memory_space<hbm>> -> memref<1x128x128xf32, #tpu.memory_space<hbm>>
    %dma_wait3A_60 = tpu.memref_squeeze %dma_wait3A_59 : memref<1x128x128xf32, #tpu.memory_space<hbm>> -> memref<128x128xf32, #tpu.memory_space<hbm>>
    tpu.wait_dma2 semaphore(%arg19 : memref<!tpu.dma_semaphore, #tpu.memory_space<semaphore_mem>>) src(%arg9 : memref<128x128xf32, #tpu.memory_space<vmem>>) dst(%dma_wait3A_60 : memref<128x128xf32, #tpu.memory_space<hbm>>)
    %dma_wait3A_61 = arith.constant 0 : i32
    %dma_wait3A_62 = arith.constant 0 : i32
    %dma_wait3A_63 = tpu.memref_slice %arg4[%dma_wait3A_61, %mul3A_2, %dma_wait3A_62] : memref<50x4096x128xf32, #tpu.memory_space<hbm>> -> memref<1x128x128xf32, #tpu.memory_space<hbm>>
    %dma_wait3A_64 = tpu.memref_squeeze %dma_wait3A_63 : memref<1x128x128xf32, #tpu.memory_space<hbm>> -> memref<128x128xf32, #tpu.memory_space<hbm>>
    %dma_wait3A_65 = arith.constant 0 : i32
    %dma_wait3A_66 = tpu.memref_slice %arg4[%dma_wait3A_61, %mul3A_2, %dma_wait3A_65] : memref<50x4096x128xf32, #tpu.memory_space<hbm>> -> memref<1x128x128xf32, #tpu.memory_space<hbm>>
    %dma_wait3A_67 = tpu.memref_squeeze %dma_wait3A_66 : memref<1x128x128xf32, #tpu.memory_space<hbm>> -> memref<128x128xf32, #tpu.memory_space<hbm>>
    tpu.wait_dma2 semaphore(%arg20 : memref<!tpu.dma_semaphore, #tpu.memory_space<semaphore_mem>>) src(%arg10 : memref<128x128xf32, #tpu.memory_space<vmem>>) dst(%dma_wait3A_67 : memref<128x128xf32, #tpu.memory_space<hbm>>)
    return
  }
}

</mosaic_0001>

<sc_bundles>
// kernel: kernel.3.cloned.1.call-start
scs
__scs_entry_jumppad:
0x0: {  	(pc) =	sbr.rel $0x88, $3  }
0x1: {  	(tag) =	ssettag $0x0;
	lr =	simm.s32 $0x1  }
0x2: {  	[smem:$0x3F9F] =	sst lr;
	_ =	strace $0xD0000000  }
0x3: {  	_ = 	snop  }
0x4: {  	_ = 	snop  }
0x5: {  	_ = 	snop  }
0x6: {  	_ = 	snop  }
0x7: {  	_ = 	snop  }
__scs_overlays_trampoline_lowered:
0x8: {  	[smem:$0x3FAE] =	sst s0  }
0x9: {  	[smem:$0x3FAF] =	sst s1  }
0xa: {  	[smem:$0x3FB0] =	sst s2  }
0xb: {  	[smem:$0x3FB1] =	sst s3  }
0xc: {  	[smem:$0x3FB2] =	sst s4  }
0xd: {  	[smem:$0x3FB3] =	sst s5  }
0xe: {  	[smem:$0x3FB4] =	sst s6  }
0xf: {  	[smem:$0x3FB5] =	sst s7  }
0x10: {  	[smem:$0x3FB6] =	sst s8  }
0x11: {  	[smem:$0x3FB7] =	sst s9;
	s0 =	simm.s32 @!p0 $0x0  }
0x12: {  	s1 =	sld [smem:$0x3F9D];
	s0 =	simm.s32 @p0 $0x1  }
0x13: {  	[smem:$0x3FB8] =	sst s0;
	s0 =	simm.s32 @!p1 $0x0  }
0x14: {  	s2 =	sld [smem:$0x3F9C];
	s0 =	simm.s32 @p1 $0x1  }
0x15: {  	[smem:$0x3FB9] =	sst s0;
	s0 =	simm.s32 @!p2 $0x0  }
0x16: {  	s3 =	sld [smem:$0x3FDB];
	s0 =	simm.s32 @p2 $0x1  }
0x17: {  	s4 =	simm.s32 $0x1BF5;
	[smem:$0x3FBB] =	sst s0  }
0x18: {  	s0 =	sld [smem:$0x3F9E];
	_ =	swait.ge [sflag:s4], $0x0  }
0x19: {  	s7 =	sld [smem:$0x3F9F]  }
0x1a: {  	s8 =	sadd.s32 $0xFFFFE003, lr  }
0x1b: {  	s9 =	sadd.s32 $0xFFFFFEF7, lr;
	s5 =	simm.s32 $0xFFFFFFFF;
	p2 =	slt.u32 s8, $0xFFFFF086  }
0x1c: {  	p1 =	slt.u32 s9, $0xF7A;
	s5 =	simm.s32 @!p2 $0x0  }
0x1d: {  	s5 =	simm.s32 @p1 $0x1;
	p0 =	seq.s32 s7, s2  }
0x1e: {  	s7 =	smul.u32 @!p0 $0xF7A, s2;
	p2 =	seq.s32 @!p0 s5, $0x0  }
0x1f: {  	s9 =	smul.u32 $0xF7A, s1;
	s8 =	simm.s32 @!p0 $0x1BF5;
	p2 =	por !p2, p0  }
0x20: {  	[sflag:s8] =	ssyncset.s32 @!p0 $0xFFFFF086;
	s6 =	sadd.s32 @!p0 s3, s7;
	s7 =	simm.s32 @!p0 $0x108  }
0x21: {  	s3 =	sadd.s32 s3, s9;
	s6 =	sadd.s32 @!p0 $0x88, s6;
	s7 =	simm.s32 @p2 $0x1082  }
0x22: {  	[simem:s7], [sflag:s8] =	dma.local @!p0 [hbm:s6], $0xF7A  }
0x23: {  	s9 =	sor.u32 $0xD0000000, s2;
	s6 =	simm.s32 $0x108;
	_ =	swait.ge @!p0 [sflag:s8], $0x0  }
0x24: {  	s3 =	sadd.s32 $0x88, s3;
	s6 =	simm.s32 @!p1 $0x1082;
	[sflag:s4] =	ssyncset.s32 $0xFFFFF086  }
0x25: {  	[simem:s6], [sflag:s4] =	dma.local [hbm:s3], $0xF7A  }
0x26: {  	[smem:$0x3F9F] =	sst s1;
	(tag) =	ssettag s2;
	_ =	strace s9  }
0x27: {  	s1 =	sld [smem:$0x3FAF]  }
0x28: {  	s2 =	sld [smem:$0x3FB0]  }
0x29: {  	s4 =	sld [smem:$0x3FB2]  }
0x2a: {  	p0 =	seq.s32 s5, $0x0;
	s5 =	sld [smem:$0x3FB3]  }
0x2b: {  	s6 =	sld [smem:$0x3FB4]  }
0x2c: {  	s7 =	sld [smem:$0x3FB5]  }
0x2d: {  	s3 =	simm.s32 $0x108;
	s8 =	sld [smem:$0x3FB6]  }
0x2e: {  	s3 =	simm.s32 @!p0 $0x1082;
	s9 =	sld [smem:$0x3FB7]  }
0x2f: {  	lr =	sadd.s32 s0, s3;
	s0 =	sld [smem:$0x3FAE]  }
0x30: {  	s3 =	sld [smem:$0x3FB1]  }
0x31: {  	[smem:$0x3FBA] =	sst s10  }
0x32: {  	s10 =	sld [smem:$0x3FB8];
	_ =	sdelay $0x3  }
0x33: {  	p0 =	seq.s32 s10, $0x1;
	s10 =	sld [smem:$0x3FBA];
	_ =	sdelay $0x3  }
0x34: {  	[smem:$0x3FBA] =	sst s10  }
0x35: {  	s10 =	sld [smem:$0x3FB9];
	_ =	sdelay $0x3  }
0x36: {  	p1 =	seq.s32 s10, $0x1;
	s10 =	sld [smem:$0x3FBA];
	_ =	sdelay $0x3  }
0x37: {  	[smem:$0x3FBA] =	sst s10  }
0x38: {  	s10 =	sld [smem:$0x3FBB]  }
0x39: {  	_ = 	snop;
	(pc) =	sbr.ind lr, $3  }
0x3a: {  	_ = 	snop  }
0x3b: {  	_ = 	snop  }
0x3c: {  	p2 =	seq.s32 s10, $0x1;
	s10 =	sld [smem:$0x3FBA]  }
0x3d: {  	_ =	shalt  }
0x3e: {  	_ =	shalt  }
0x3f: {  	_ =	shalt  }
0x40: {  	_ =	shalt  }
0x41: {  	_ =	shalt  }
0x42: {  	_ =	shalt  }
0x43: {  	_ =	shalt  }
0x44: {  	_ =	shalt  }
0x45: {  	_ =	shalt  }
0x46: {  	_ =	shalt  }
0x47: {  	_ =	shalt  }
0x48: {  	_ =	shalt  }
0x49: {  	_ =	shalt  }
0x4a: {  	_ =	shalt  }
0x4b: {  	_ =	shalt  }
0x4c: {  	_ =	shalt  }
0x4d: {  	_ =	shalt  }
0x4e: {  	_ =	shalt  }
0x4f: {  	_ =	shalt  }
0x50: {  	_ =	shalt  }
0x51: {  	_ =	shalt  }
0x52: {  	_ =	shalt  }
0x53: {  	_ =	shalt  }
0x54: {  	_ =	shalt  }
0x55: {  	_ =	shalt  }
0x56: {  	_ =	shalt  }
0x57: {  	_ =	shalt  }
0x58: {  	_ =	shalt  }
0x59: {  	_ =	shalt  }
0x5a: {  	_ =	shalt  }
0x5b: {  	_ =	shalt  }
0x5c: {  	_ =	shalt  }
0x5d: {  	_ =	shalt  }
0x5e: {  	_ =	shalt  }
0x5f: {  	_ =	shalt  }
0x60: {  	_ =	shalt  }
0x61: {  	_ =	shalt  }
0x62: {  	_ =	shalt  }
0x63: {  	_ =	shalt  }
0x64: {  	_ =	shalt  }
0x65: {  	_ =	shalt  }
0x66: {  	_ =	shalt  }
0x67: {  	_ =	shalt  }
0x68: {  	_ =	shalt  }
0x69: {  	_ =	shalt  }
0x6a: {  	_ =	shalt  }
0x6b: {  	_ =	shalt  }
0x6c: {  	_ =	shalt  }
0x6d: {  	_ =	shalt  }
0x6e: {  	_ =	shalt  }
0x6f: {  	_ =	shalt  }
0x70: {  	_ =	shalt  }
0x71: {  	_ =	shalt  }
0x72: {  	_ =	shalt  }
0x73: {  	_ =	shalt  }
0x74: {  	_ =	shalt  }
0x75: {  	_ =	shalt  }
0x76: {  	_ =	shalt  }
0x77: {  	_ =	shalt  }
0x78: {  	_ =	shalt  }
0x79: {  	_ =	shalt  }
0x7a: {  	_ =	shalt  }
0x7b: {  	_ =	shalt  }
0x7c: {  	_ =	shalt  }
0x7d: {  	_ =	shalt  }
0x7e: {  	_ =	shalt  }
0x7f: {  	_ =	shalt  }
0x80: {  	_ =	shalt  }
0x81: {  	_ =	shalt  }
0x82: {  	_ =	shalt  }
0x83: {  	_ =	shalt  }
0x84: {  	_ =	shalt  }
0x85: {  	_ =	shalt  }
0x86: {  	_ =	shalt  }
0x87: {  	_ =	shalt  }
.Lfunc_end0:
.L_simem_size_0:
called_computation_lowered:
.L_overlay_start_0:
0x88: {  	s2 =	sld [smem:$0x3FD9]  }
0x89: {  	s3 =	sld [smem:$0x3FFE];
	_ =	sdelay $0x1  }
0x8a: {  	s1 =	srdreg.scid  }
0x8b: {  	s0 =	sand.u32 $0x1, s1  }
0x8c: {  	s17 =	sshll.u32 s0, $0xA;
	s2 =	sadd.s32 s3, s2  }
0x8d: {  	s2 =	sadd.s32 s2, s17  }
0x8e: {  	[smem:$0x3FC6] =	sst s2  }
0x8f: {  	_ = 	snop  }
0x90: {  	s2 =	sld [smem:$0x3FC8]  }
0x91: {  	s18 =	sld [smem:$0x3FD0];
	(tm) =	ssettm $0x1  }
0x92: {  	s4 =	sld [smem:$0x3FFB];
	_ =	sdelay $0x3  }
0x93: {  	_ =	strace s4  }
0x94: {  	s4 =	sld [smem:$0x3FFC];
	_ =	sdelay $0x3  }
0x95: {  	_ =	strace s4  }
0x96: {  	s4 =	sld [smem:$0x3FFD];
	_ =	sdelay $0x3  }
0x97: {  	_ =	strace s4  }
0x98: {  	_ =	strace $0x8FFFFFFF  }
0x99: {  	s19 =	sld [smem:$0x3FDB];
	_ =	sdelay $0x1  }
0x9a: {  	s5 =	simm.s32 $_scs_section_size  }
0x9b: {  	s6 =	simm.s32 $_size__tile_overlayer_lowered;
	s7 =	simm.s32 $_tile_overlayer_lowered  }
0x9c: {  	s22 =	simm.s32 $0x1BFF;
	s21 =	sshll.u32 s7, $0x1;
	s4 =	sadd.s32 s5, s19  }
0x9d: {  	s8 =	simm.s32 $0x0;
	s20 =	sshll.u32 s6, $0x1;
	s6 =	sadd.s32 s21, s4  }
0x9e: {  	[timem:s8], [sflag:s22] =	dma.local [hbm:s6], s20  }
0x9f: {  	_ =	swait.ge [sflag:s22], s20  }
0xa0: {  	s5 =	ssub.s32 $0x0, s20;
	[sflag:s22] =	ssyncset.done $0x0  }
0xa1: {  	[sflag:s22] =	ssyncadd.s32 s5;
	_ =	sdelay $0x1  }
0xa2: {  	s23 =	simm.s32 $0x1B8B  }
0xa3: {  	_ =	swait.ge [sflag:s23], $0x1  }
0xa4: {  	[sflag:s23] =	ssyncset.done $0x0  }
0xa5: {  	s25 =	simm.s32 $0x1B8E;
	s24 =	sld [smem:$0x3FFE];
	[sflag:s23] =	ssyncadd.s32 $0xFFFFFFFF  }
0xa6: {  	s26 =	simm.s32 $execute0_lowered;
	[smem:$0x3FD2] =	sst s25  }
0xa7: {  	s6 =	sshll.u32 s26, $0x1;
	_ =	strace $0x80000046;
	[dreg:$0x1] =	wrdreg $0xFFFFFFFF  }
0xa8: {  	s28 =	simm.s32 $_size_execute0_lowered;
	s4 =	sadd.s32 s4, s6;
	[dreg:$0x0] =	wrdreg $0x0  }
0xa9: {  	s6 =	sshll.u32 s28, $0x1;
	[dreg:$0x2] =	wrdreg s4  }
0xaa: {  	[dreg:$0x3] =	wrdreg s6  }
0xab: {  	[dreg:$0x4] =	wrdreg $0xC0  }
0xac: {  	_ =	task [dreg:s8], $0x5FFFF  }
0xad: {  	[dreg:$0x1] =	wrdreg $0xFFFFFFFF  }
0xae: {  	[dreg:$0x0] =	wrdreg $0x60  }
0xaf: {  	[dreg:$0x2] =	wrdreg s24  }
0xb0: {  	[dreg:$0x3] =	wrdreg s2  }
0xb1: {  	[dreg:$0x4] =	wrdreg s18  }
0xb2: {  	[dreg:$0x5] =	wrdreg $0x9  }
0xb3: {  	_ =	task.clear_ibuf [dreg:s8], $0x6FFFF;
	_ =	strace $0x90000046  }
0xb4: {  	s29 =	simm.s32 $0x9;
	_ =	strace $0x80000048  }
0xb5: {  	_ =	swait.ge [sflag:s29], $0x1  }
0xb6: {  	[sflag:s29] =	ssyncadd.s32 $0xFFFFFFFF  }
0xb7: {  	_ =	strace $0x90000048  }
0xb8: {  	_ =	sfence  }
0xb9: {  	s30 =	sld [smem:$0x0];
	_ =	sdelay $0x2  }
0xba: {  	s31 =	sshll.u32 s1, $0xD;
	s1 =	sshrl.u32 s1, $0x2  }
0xbb: {  	s3 =	sand.u32 $0x4000, s31;
	s1 =	sadd.s32 s1, s30  }
0xbc: {  	s0 =	sor.u32 s3, s0;
	s1 =	sshll.u32 s1, $0x11  }
0xbd: {  	s0 =	sor.u32 s1, s0  }
0xbe: {  	s0 =	sadd.s32 $0x8F2B, s0  }
0xbf: {  	[sflag:s0] =	ssyncadd.remote.s32 $0x1  }
0xc0: {  	_ =	sfence.sel $0xFFFF  }
0xc1: {  	[dreg:$0x0] =	wrdreg $0xFFFFFFFF;
	(pc) =	sbr.abs _section_cstart, $3  }
0xc2: {  	[dreg:$0x1] =	wrdreg $0xFFFFFFFF  }
0xc3: {  	_ =	task.clear_ibuf [dreg:s8], $0x2FFFF;
	_ =	strace $0x9FFFFFFF  }
0xc4: {  	(tm) =	ssettm $0x7FFFFFFF  }
0xc5: {  	_ =	shalt  }
tec
execute0_lowered:
.L_overlay_start_1:
0x0: {  	(tag) =	ssettag $0x1  }
0x1: {  	s0 =	rddreg [dreg:$0x0]  }
0x2: {  	s2 =	rddreg [dreg:$0x1]  }
0x3: {  	s1 =	srdreg.scid;
	s9 =	stileid.u32  }
0x4: {  	s4 =	rddreg [dreg:$0x2];
	s3 =	simm.s32 $0x0;
	s12 =	simm.s32 $0x80  }
0x5: {  	s13 =	simm.s32 $0x1C00;
	s16 =	simm.s32 $0x9C00;
	s19 =	simm.s32 $0x11C00  }
0x6: {  	s20 =	simm.s32 $0x1;
	s21 =	simm.s32 $0x3;
	s22 =	simm.s32 $0x5  }
0x7: {  	s29 =	simm.s32 $0x0;
	s1 =	sand.u32 $0x1, s1;
	s5 =	sshll.u32 s9, $0x1  }
0x8: {  	[smem:$0x7FF] =	sst s3;
	s24 =	sshll.u32 s9, $0xF;
	s5 =	sor.u32 s1, s5  }
0x9: {  	s7 =	ssub.s32 $0x2, s1;
	_ =	strace $0x80000047;
	s1 =	sshll.u32 s1, $0xE  }
0xa: {  	s6 =	smul.u32 $0x380, s5;
	s8 =	sshrl.u32 s7, $0x1;
	s5 =	sshll.u32 s5, $0xB  }
0xb: {  	s1 =	sor.u32 s1, s24;
	s23 =	ssub.s32 s7, s8;
	s5 =	sadd.s32 s5, s4  }
0xc: {  	s26 =	sor.u32 $0x180000, s1;
	s7 =	sor.u32 $0x100000, s1;
	s30 =	sor.u32 $0x80000, s1  }
0xd: {  	s31 =	sor.u32 $0x200000, s1;
	s0 =	sadd.s32 s6, s0;
	s6 =	smax.u32 s23, $0x1  }
0xe: {  	s1 =	sshrl.u32 s1, $0x3;
	s25 =	sadd.s32 $0x2E0000, s5;
	[dreg:$0x7] =	wrdreg s6  }
0xf: {  	s5 =	sadd.s32 $0x300000, s5;
	s0 =	sadd.s32 $0x400, s0;
	[dreg:$0x4] =	wrdreg s25  }
0x10: {  	s28 =	sshrl.u32 s7, $0x3;
	[dreg:$0x6] =	wrdreg s0;
	s0 =	sshrl.u32 s26, $0x3  }
0x11: {  	s9 =	sadd.s32 s1, s4;
	[dreg:$0x5] =	wrdreg s5;
	s0 =	sadd.s32 s0, s4  }
0x12: {  	s5 =	sshrl.u32 s31, $0x3;
	[dreg:$0x8] =	wrdreg s0;
	s0 =	sshrl.u32 s30, $0x3  }
0x13: {  	s7 =	sadd.s32 s28, s4;
	s18 =	sadd.s32 s5, s4;
	s8 =	sadd.s32 s0, s4  }
.LBB2_1:
0x14: {  	s0 =	rddreg [dreg:$0x6];
	s23 =	simm.s32 $0xB  }
0x15: {  	[tilespmem:s3], [sflag:$0xB] =	stream.linear.gather [hbm4b:s0+s3], $0x1900, $0x38;
	[tilespmem:$0x15C00] =	vst v63  }
0x16: {  	_ =	swait.ge [sflag:s23], $0x1900  }
0x17: {  	[sflag:s23] =	ssyncset.done $0x0  }
0x18: {  	[sflag:s23] =	ssyncadd.s32 $0xFFFFE700  }
0x19: {  	[tilespmem:s13], [sflag:$0x1] =	stream.indirect.gather [hbm4b:s2+s12], $0x80, s3, s12, $0xb8;
	[tilespmem:$0x15C00] =	vst v63  }
0x1a: {  	s24 =	simm.s32 $0x5C00  }
0x1b: {  	[tilespmem:s24], [sflag:$0x2] =	stream.indirect.gather [hbm4b:s2+s12], $0x80, s12, s12, $0xb8;
	[tilespmem:$0x15C00] =	vst v63  }
0x1c: {  	s25 =	simm.s32 $0x100;
	p0 =	por $0x1, $0x1  }
0x1d: {  	[tilespmem:s16], [sflag:$0x3] =	stream.indirect.gather [hbm4b:s2+s12], $0x80, s25, s12, $0xb8;
	[tilespmem:$0x15C00] =	vst v63  }
0x1e: {  	s26 =	simm.s32 $0x180;
	s1 =	simm.s32 $0xDC00;
	s0 =	simm.s32 @!p0 $0xA  }
0x1f: {  	[tilespmem:s1], [sflag:$0x4] =	stream.indirect.gather [hbm4b:s2+s12], $0x80, s26, s12, $0xb8;
	[tilespmem:$0x15C00] =	vst v63  }
0x20: {  	_ =	swait.ge @!p0 [sflag:s0], $0x4000  }
0x21: {  	[sflag:s0] =	ssyncset.done @!p0 $0x0  }
0x22: {  	s28 =	simm.s32 $0x200;
	[sflag:s0] =	ssyncadd.s32 @!p0 $0xFFFFC000  }
0x23: {  	[tilespmem:s19], [sflag:$0x5] =	stream.indirect.gather [hbm4b:s2+s12], $0x80, s28, s12, $0xb8;
	[tilespmem:$0x15C00] =	vst v63  }
0x24: {  	_ =	swait.ge [sflag:s20], $0x4000  }
0x25: {  	p0 =	por $0x0, $0x0;
	[sflag:s20] =	ssyncset.done $0x0  }
0x26: {  	s0 =	simm.s32 @p0 $0x2;
	[sflag:s20] =	ssyncadd.s32 $0xFFFFC000  }
0x27: {  	[hbm4b:s9+s3] =	stream.linear.scatter [tilespmem:s13], [sflag:$0x6], $0x4000, $0x38;
	[tilespmem:$0x15C00] =	vst v63  }
0x28: {  	_ =	swait.ge @p0 [sflag:s0], $0x4000  }
0x29: {  	s4 =	simm.s32 @p0 $0x5C00;
	s5 =	simm.s32 @!p0 $0x6;
	[sflag:s0] =	ssyncset.done @p0 $0x0  }
0x2a: {  	s1 =	rddreg [dreg:$0x4];
	[sflag:s0] =	ssyncadd.s32 @p0 $0xFFFFC000;
	s0 =	simm.s32 @p0 $0x0  }
0x2b: {  	[hbm4b:s1+s0] =	stream.linear.scatter @p0 [tilespmem:s4], [sflag:$0x7], $0x4000, $0x38;
	[tilespmem:$0x15C00] =	vst v63  }
0x2c: {  	_ =	swait.ge @!p0 [sflag:s5], $0x4000  }
0x2d: {  	s10 =	simm.s32 @!p0 $0x1C00;
	s1 =	simm.s32 @!p0 $0x280;
	[sflag:s5] =	ssyncset.done @!p0 $0x0  }
0x2e: {  	s4 =	simm.s32 @!p0 $0x80;
	[sflag:s5] =	ssyncadd.s32 @!p0 $0xFFFFC000;
	s5 =	simm.s32 @!p0 $0x2  }
0x2f: {  	[tilespmem:s10], [sflag:$0x1] =	stream.indirect.gather @!p0 [hbm4b:s2+s4], $0x80, s1, s4, $0xb8;
	[tilespmem:$0x15C00] =	vst v63  }
0x30: {  	_ =	swait.ge @!p0 [sflag:s5], $0x4000  }
0x31: {  	s1 =	simm.s32 @!p0 $0x0;
	[sflag:s5] =	ssyncset.done @!p0 $0x0  }
0x32: {  	s10 =	simm.s32 @!p0 $0x5C00;
	[sflag:s5] =	ssyncadd.s32 @!p0 $0xFFFFC000;
	s5 =	simm.s32 @!p0 $0x7  }
0x33: {  	[hbm4b:s8+s1] =	stream.linear.scatter @!p0 [tilespmem:s10], [sflag:$0x7], $0x4000, $0x38;
	[tilespmem:$0x15C00] =	vst v63  }
0x34: {  	_ =	swait.ge @!p0 [sflag:s5], $0x4000  }
0x35: {  	[sflag:s5] =	ssyncset.done @!p0 $0x0  }
0x36: {  	s11 =	simm.s32 @!p0 $0x300;
	[sflag:s5] =	ssyncadd.s32 @!p0 $0xFFFFC000  }
0x37: {  	[tilespmem:s10], [sflag:$0x2] =	stream.indirect.gather @!p0 [hbm4b:s2+s4], $0x80, s11, s4, $0xb8;
	[tilespmem:$0x15C00] =	vst v63  }
0x38: {  	_ =	swait.ge [sflag:s21], $0x4000  }
0x39: {  	[sflag:s21] =	ssyncset.done $0x0  }
0x3a: {  	s5 =	simm.s32 @p0 $0x4;
	[sflag:s21] =	ssyncadd.s32 $0xFFFFC000  }
0x3b: {  	[hbm4b:s7+s3] =	stream.linear.scatter [tilespmem:s16], [sflag:$0x8], $0x4000, $0x38;
	[tilespmem:$0x15C00] =	vst v63  }
0x3c: {  	_ =	swait.ge @p0 [sflag:s5], $0x4000  }
0x3d: {  	s11 =	simm.s32 @!p0 $0x8;
	[sflag:s5] =	ssyncset.done @p0 $0x0  }
0x3e: {  	s10 =	rddreg [dreg:$0x5];
	[sflag:s5] =	ssyncadd.s32 @p0 $0xFFFFC000;
	s5 =	simm.s32 @p0 $0xDC00  }
0x3f: {  	[hbm4b:s10+s0] =	stream.linear.scatter @p0 [tilespmem:s5], [sflag:$0x9], $0x4000, $0x38;
	[tilespmem:$0x15C00] =	vst v63  }
0x40: {  	_ =	swait.ge @!p0 [sflag:s11], $0x4000  }
0x41: {  	s0 =	simm.s32 @!p0 $0x380;
	[sflag:s11] =	ssyncset.done @!p0 $0x0  }
0x42: {  	s5 =	simm.s32 @!p0 $0x9C00;
	s10 =	simm.s32 @!p0 $0x4;
	[sflag:s11] =	ssyncadd.s32 @!p0 $0xFFFFC000  }
0x43: {  	[tilespmem:s5], [sflag:$0x3] =	stream.indirect.gather @!p0 [hbm4b:s2+s4], $0x80, s0, s4, $0xb8;
	[tilespmem:$0x15C00] =	vst v63  }
0x44: {  	s15 =	simm.s32 $0xA00;
	_ =	swait.ge @!p0 [sflag:s10], $0x4000  }
0x45: {  	s17 =	simm.s32 $0x1400;
	s0 =	simm.s32 @!p0 $0xDC00;
	[sflag:s10] =	ssyncset.done @!p0 $0x0  }
0x46: {  	s5 =	simm.s32 @!p0 $0x9;
	s6 =	rddreg [dreg:$0x8];
	[sflag:s10] =	ssyncadd.s32 @!p0 $0xFFFFC000  }
0x47: {  	[hbm4b:s6+s1] =	stream.linear.scatter @!p0 [tilespmem:s0], [sflag:$0x9], $0x4000, $0x38;
	[tilespmem:$0x15C00] =	vst v63  }
0x48: {  	s14 =	sadd.s32 $0x50000, s9;
	s30 =	sadd.s32 $0x50000, s18;
	_ =	swait.ge @!p0 [sflag:s5], $0x4000  }
0x49: {  	p1 =	por $0x0, $0x0;
	s31 =	sadd.s32 $0x50000, s6;
	[sflag:s5] =	ssyncset.done @!p0 $0x0  }
0x4a: {  	s10 =	smov.u32 s18;
	s1 =	simm.s32 @!p0 $0x400;
	[sflag:s5] =	ssyncadd.s32 @!p0 $0xFFFFC000  }
0x4b: {  	[tilespmem:s0], [sflag:$0x4] =	stream.indirect.gather @!p0 [hbm4b:s2+s4], $0x80, s1, s4, $0xb8;
	[tilespmem:$0x15C00] =	vst v63  }
0x4c: {  	s1 =	sadd.s32 $0x50000, s7;
	s0 =	sadd.s32 $0x50000, s8;
	_ =	swait.ge [sflag:s22], $0x4000  }
.LBB2_2:
0x4d: {  	[sflag:s22] =	ssyncset.done $0x0  }
0x4e: {  	s4 =	simm.s32 @!p1 $0xA;
	[sflag:s22] =	ssyncadd.s32 $0xFFFFC000  }
0x4f: {  	[hbm4b:s10+s3] =	stream.linear.scatter [tilespmem:s19], [sflag:$0xA], $0x4000, $0x38;
	[tilespmem:$0x15C00] =	vst v63  }
0x50: {  	_ =	swait.ge @!p1 [sflag:s4], $0x4000  }
0x51: {  	s11 =	sshra.s32 s15, $0x2;
	[sflag:s4] =	ssyncset.done @!p1 $0x0  }
0x52: {  	s11 =	sadd.s32 $0x200, s11;
	[sflag:s4] =	ssyncadd.s32 @!p1 $0xFFFFC000  }
0x53: {  	[tilespmem:s19], [sflag:$0x5] =	stream.indirect.gather [hbm4b:s2+s12], $0x80, s11, s12, $0xb8;
	[tilespmem:$0x15C00] =	vst v63  }
0x54: {  	_ =	swait.ge [sflag:s20], $0x4000  }
0x55: {  	s5 =	smov.u32 s17;
	p1 =	seq.s32 s15, $0x5A00;
	[sflag:s20] =	ssyncset.done $0x0  }
0x56: {  	s4 =	simm.s32 @p1 $0x2;
	s15 =	sshra.s32 @!p1 s15, $0x2;
	[sflag:s20] =	ssyncadd.s32 $0xFFFFC000  }
0x57: {  	[hbm4b:s14+s3] =	stream.linear.scatter [tilespmem:s13], [sflag:$0x6], $0x4000, $0x38;
	[tilespmem:$0x15C00] =	vst v63  }
0x58: {  	s26 =	simm.s32 @p1 $0x0;
	s28 =	simm.s32 @p1 $0x5C00;
	_ =	swait.ge @p1 [sflag:s4], $0x4000  }
0x59: {  	s6 =	simm.s32 @!p1 $0x6;
	s23 =	sadd.s32 @!p1 $0x280, s15;
	[sflag:s4] =	ssyncset.done @p1 $0x0  }
0x5a: {  	s24 =	sadd.s32 @!p1 $0x300, s15;
	s25 =	rddreg [dreg:$0x4];
	[sflag:s4] =	ssyncadd.s32 @p1 $0xFFFFC000  }
0x5b: {  	[hbm4b:s25+s26] =	stream.linear.scatter @p1 [tilespmem:s28], [sflag:$0x7], $0x4000, $0x38;
	[tilespmem:$0x15C00] =	vst v63  }
0x5c: {  	s11 =	sadd.s32 @!p1 $0x380, s15;
	s4 =	sadd.s32 @!p1 $0x400, s15;
	_ =	swait.ge @!p1 [sflag:s6], $0x4000  }
0x5d: {  	s15 =	smov.u32 s5;
	s5 =	simm.s32 @!p1 $0x80;
	[sflag:s6] =	ssyncset.done @!p1 $0x0  }
0x5e: {  	s25 =	simm.s32 @!p1 $0x1C00;
	[sflag:s6] =	ssyncadd.s32 @!p1 $0xFFFFC000;
	s6 =	simm.s32 @!p1 $0x2  }
0x5f: {  	[tilespmem:s25], [sflag:$0x1] =	stream.indirect.gather @!p1 [hbm4b:s2+s5], $0x80, s23, s5, $0xb8;
	[tilespmem:$0x15C00] =	vst v63  }
0x60: {  	_ =	swait.ge @!p1 [sflag:s6], $0x4000  }
0x61: {  	s23 =	simm.s32 @!p1 $0x0;
	[sflag:s6] =	ssyncset.done @!p1 $0x0  }
0x62: {  	s25 =	simm.s32 @!p1 $0x5C00;
	[sflag:s6] =	ssyncadd.s32 @!p1 $0xFFFFC000;
	s6 =	simm.s32 @!p1 $0x7  }
0x63: {  	[hbm4b:s0+s23] =	stream.linear.scatter @!p1 [tilespmem:s25], [sflag:$0x7], $0x4000, $0x38;
	[tilespmem:$0x15C00] =	vst v63  }
0x64: {  	_ =	swait.ge @!p1 [sflag:s6], $0x4000  }
0x65: {  	[sflag:s6] =	ssyncset.done @!p1 $0x0  }
0x66: {  	[sflag:s6] =	ssyncadd.s32 @!p1 $0xFFFFC000  }
0x67: {  	[tilespmem:s25], [sflag:$0x2] =	stream.indirect.gather @!p1 [hbm4b:s2+s5], $0x80, s24, s5, $0xb8;
	[tilespmem:$0x15C00] =	vst v63  }
0x68: {  	_ =	swait.ge [sflag:s21], $0x4000  }
0x69: {  	[sflag:s21] =	ssyncset.done $0x0  }
0x6a: {  	s6 =	simm.s32 @p1 $0x4;
	[sflag:s21] =	ssyncadd.s32 $0xFFFFC000  }
0x6b: {  	[hbm4b:s1+s3] =	stream.linear.scatter [tilespmem:s16], [sflag:$0x8], $0x4000, $0x38;
	[tilespmem:$0x15C00] =	vst v63  }
0x6c: {  	_ =	swait.ge @p1 [sflag:s6], $0x4000  }
0x6d: {  	s25 =	simm.s32 @!p1 $0x8;
	[sflag:s6] =	ssyncset.done @p1 $0x0  }
0x6e: {  	s24 =	rddreg [dreg:$0x5];
	[sflag:s6] =	ssyncadd.s32 @p1 $0xFFFFC000;
	s6 =	simm.s32 @p1 $0xDC00  }
0x6f: {  	[hbm4b:s24+s26] =	stream.linear.scatter @p1 [tilespmem:s6], [sflag:$0x9], $0x4000, $0x38;
	[tilespmem:$0x15C00] =	vst v63  }
0x70: {  	_ =	swait.ge @!p1 [sflag:s25], $0x4000  }
0x71: {  	[sflag:s25] =	ssyncset.done @!p1 $0x0  }
0x72: {  	s6 =	simm.s32 @!p1 $0x9C00;
	s24 =	simm.s32 @!p1 $0x4;
	[sflag:s25] =	ssyncadd.s32 @!p1 $0xFFFFC000  }
0x73: {  	[tilespmem:s6], [sflag:$0x3] =	stream.indirect.gather @!p1 [hbm4b:s2+s5], $0x80, s11, s5, $0xb8;
	[tilespmem:$0x15C00] =	vst v63  }
0x74: {  	s17 =	sadd.s32 $0xA00, s17;
	_ =	swait.ge @!p1 [sflag:s24], $0x4000  }
0x75: {  	p0 =	sne.s32 s17, $0x6400;
	[sflag:s24] =	ssyncset.done @!p1 $0x0  }
0x76: {  	s6 =	simm.s32 @!p1 $0xDC00;
	s11 =	simm.s32 @!p1 $0x9;
	[sflag:s24] =	ssyncadd.s32 @!p1 $0xFFFFC000  }
0x77: {  	[hbm4b:s31+s23] =	stream.linear.scatter @!p1 [tilespmem:s6], [sflag:$0x9], $0x4000, $0x38;
	[tilespmem:$0x15C00] =	vst v63  }
.Ltmp0:
0x78: {  	s10 =	smov.u32 s30;
	_ =	swait.ge @!p1 [sflag:s11], $0x4000;
	(pc) =	sbr.rel @p0 .LBB2_2-.Ltmp0, $4  }
0x79: {  	s30 =	sadd.s32 $0x50000, s30;
	s14 =	sadd.s32 $0x50000, s14;
	[sflag:s11] =	ssyncset.done @!p1 $0x0  }
0x7a: {  	s0 =	sadd.s32 $0x50000, s0;
	s1 =	sadd.s32 $0x50000, s1;
	[sflag:s11] =	ssyncadd.s32 @!p1 $0xFFFFC000  }
0x7b: {  	[tilespmem:s6], [sflag:$0x4] =	stream.indirect.gather @!p1 [hbm4b:s2+s5], $0x80, s4, s5, $0xb8;
	[tilespmem:$0x15C00] =	vst v63  }
0x7c: {  	s31 =	sadd.s32 $0x50000, s31;
	p1 =	seq.s32 s15, $0x0;
	_ =	swait.ge [sflag:s22], $0x4000  }
0x7d: {  	[sflag:s22] =	ssyncset.done $0x0  }
0x7e: {  	s4 =	simm.s32 @!p1 $0xA;
	[sflag:s22] =	ssyncadd.s32 $0xFFFFC000  }
0x7f: {  	[hbm4b:s10+s3] =	stream.linear.scatter [tilespmem:s19], [sflag:$0xA], $0x4000, $0x38;
	[tilespmem:$0x15C00] =	vst v63  }
0x80: {  	_ =	swait.ge @!p1 [sflag:s4], $0x4000  }
0x81: {  	s5 =	sshra.s32 s15, $0x2;
	[sflag:s4] =	ssyncset.done @!p1 $0x0  }
0x82: {  	s5 =	sadd.s32 $0x200, s5;
	[sflag:s4] =	ssyncadd.s32 @!p1 $0xFFFFC000  }
0x83: {  	[tilespmem:s19], [sflag:$0x5] =	stream.indirect.gather [hbm4b:s2+s12], $0x80, s5, s12, $0xb8;
	[tilespmem:$0x15C00] =	vst v63  }
0x84: {  	_ =	swait.ge [sflag:s20], $0x4000  }
0x85: {  	p0 =	seq.s32 s15, $0x5A00;
	[sflag:s20] =	ssyncset.done $0x0  }
0x86: {  	s4 =	simm.s32 @p0 $0x2;
	[sflag:s20] =	ssyncadd.s32 $0xFFFFC000  }
0x87: {  	[hbm4b:s14+s3] =	stream.linear.scatter [tilespmem:s13], [sflag:$0x6], $0x4000, $0x38;
	[tilespmem:$0x15C00] =	vst v63  }
0x88: {  	_ =	swait.ge @p0 [sflag:s4], $0x4000  }
0x89: {  	s6 =	simm.s32 @p0 $0x5C00;
	s10 =	simm.s32 @!p0 $0x6;
	[sflag:s4] =	ssyncset.done @p0 $0x0  }
0x8a: {  	s5 =	rddreg [dreg:$0x4];
	[sflag:s4] =	ssyncadd.s32 @p0 $0xFFFFC000;
	s4 =	simm.s32 @p0 $0x0  }
0x8b: {  	[hbm4b:s5+s4] =	stream.linear.scatter @p0 [tilespmem:s6], [sflag:$0x7], $0x4000, $0x38;
	[tilespmem:$0x15C00] =	vst v63  }
0x8c: {  	_ =	swait.ge @!p0 [sflag:s10], $0x4000  }
0x8d: {  	s11 =	simm.s32 @!p0 $0x80;
	s5 =	sshra.s32 @!p0 s15, $0x2;
	[sflag:s10] =	ssyncset.done @!p0 $0x0  }
0x8e: {  	s6 =	sadd.s32 @!p0 $0x280, s5;
	[sflag:s10] =	ssyncadd.s32 @!p0 $0xFFFFC000;
	s10 =	simm.s32 @!p0 $0x1C00  }
0x8f: {  	[tilespmem:s10], [sflag:$0x1] =	stream.indirect.gather @!p0 [hbm4b:s2+s11], $0x80, s6, s11, $0xb8;
	[tilespmem:$0x15C00] =	vst v63  }
0x90: {  	s6 =	simm.s32 @!p0 $0x2  }
0x91: {  	_ =	swait.ge @!p0 [sflag:s6], $0x4000  }
0x92: {  	[sflag:s6] =	ssyncset.done @!p0 $0x0  }
0x93: {  	s10 =	simm.s32 @!p0 $0x0;
	[sflag:s6] =	ssyncadd.s32 @!p0 $0xFFFFC000;
	s6 =	simm.s32 @!p0 $0x5C00  }
0x94: {  	[hbm4b:s0+s10] =	stream.linear.scatter @!p0 [tilespmem:s6], [sflag:$0x7], $0x4000, $0x38;
	[tilespmem:$0x15C00] =	vst v63  }
0x95: {  	s0 =	simm.s32 @!p0 $0x7  }
0x96: {  	_ =	swait.ge @!p0 [sflag:s0], $0x4000  }
0x97: {  	[sflag:s0] =	ssyncset.done @!p0 $0x0  }
0x98: {  	[sflag:s0] =	ssyncadd.s32 @!p0 $0xFFFFC000;
	s0 =	sadd.s32 @!p0 $0x300, s5  }
0x99: {  	[tilespmem:s6], [sflag:$0x2] =	stream.indirect.gather @!p0 [hbm4b:s2+s11], $0x80, s0, s11, $0xb8;
	[tilespmem:$0x15C00] =	vst v63  }
0x9a: {  	_ =	swait.ge [sflag:s21], $0x4000  }
0x9b: {  	[sflag:s21] =	ssyncset.done $0x0  }
0x9c: {  	s0 =	simm.s32 @p0 $0x4;
	[sflag:s21] =	ssyncadd.s32 $0xFFFFC000  }
0x9d: {  	[hbm4b:s1+s3] =	stream.linear.scatter [tilespmem:s16], [sflag:$0x8], $0x4000, $0x38;
	[tilespmem:$0x15C00] =	vst v63  }
0x9e: {  	_ =	swait.ge @p0 [sflag:s0], $0x4000  }
0x9f: {  	[sflag:s0] =	ssyncset.done @p0 $0x0  }
0xa0: {  	s1 =	rddreg [dreg:$0x5];
	[sflag:s0] =	ssyncadd.s32 @p0 $0xFFFFC000;
	s0 =	simm.s32 @p0 $0xDC00  }
0xa1: {  	[hbm4b:s1+s4] =	stream.linear.scatter @p0 [tilespmem:s0], [sflag:$0x9], $0x4000, $0x38;
	[tilespmem:$0x15C00] =	vst v63  }
0xa2: {  	s0 =	simm.s32 @!p0 $0x8  }
0xa3: {  	_ =	swait.ge @!p0 [sflag:s0], $0x4000  }
0xa4: {  	[sflag:s0] =	ssyncset.done @!p0 $0x0  }
0xa5: {  	s1 =	sadd.s32 @!p0 $0x380, s5;
	[sflag:s0] =	ssyncadd.s32 @!p0 $0xFFFFC000;
	s0 =	simm.s32 @!p0 $0x9C00  }
0xa6: {  	[tilespmem:s0], [sflag:$0x3] =	stream.indirect.gather @!p0 [hbm4b:s2+s11], $0x80, s1, s11, $0xb8;
	[tilespmem:$0x15C00] =	vst v63  }
0xa7: {  	s0 =	simm.s32 @!p0 $0x4  }
0xa8: {  	_ =	swait.ge @!p0 [sflag:s0], $0x4000  }
0xa9: {  	[sflag:s0] =	ssyncset.done @!p0 $0x0  }
0xaa: {  	s1 =	simm.s32 @!p0 $0x9;
	[sflag:s0] =	ssyncadd.s32 @!p0 $0xFFFFC000;
	s0 =	simm.s32 @!p0 $0xDC00  }
0xab: {  	[hbm4b:s31+s10] =	stream.linear.scatter @!p0 [tilespmem:s0], [sflag:$0x9], $0x4000, $0x38;
	[tilespmem:$0x15C00] =	vst v63  }
0xac: {  	_ =	swait.ge @!p0 [sflag:s1], $0x4000  }
0xad: {  	[sflag:s1] =	ssyncset.done @!p0 $0x0  }
0xae: {  	[sflag:s1] =	ssyncadd.s32 @!p0 $0xFFFFC000;
	s1 =	sadd.s32 @!p0 $0x400, s5  }
0xaf: {  	[tilespmem:s0], [sflag:$0x4] =	stream.indirect.gather @!p0 [hbm4b:s2+s11], $0x80, s1, s11, $0xb8;
	[tilespmem:$0x15C00] =	vst v63  }
0xb0: {  	_ =	swait.ge [sflag:s22], $0x4000  }
0xb1: {  	[sflag:s22] =	ssyncset.done $0x0  }
0xb2: {  	s24 =	simm.s32 $0x6;
	[sflag:s22] =	ssyncadd.s32 $0xFFFFC000  }
0xb3: {  	[hbm4b:s30+s3] =	stream.linear.scatter [tilespmem:s19], [sflag:$0xA], $0x4000, $0x38;
	[tilespmem:$0x15C00] =	vst v63  }
0xb4: {  	_ =	swait.ge [sflag:s24], $0x4000  }
0xb5: {  	[sflag:s24] =	ssyncset.done $0x0  }
0xb6: {  	s25 =	simm.s32 $0x7;
	[sflag:s24] =	ssyncadd.s32 $0xFFFFC000  }
0xb7: {  	_ =	swait.ge [sflag:s25], $0x4000  }
0xb8: {  	[sflag:s25] =	ssyncset.done $0x0  }
0xb9: {  	s26 =	simm.s32 $0x8;
	[sflag:s25] =	ssyncadd.s32 $0xFFFFC000  }
0xba: {  	_ =	swait.ge [sflag:s26], $0x4000  }
0xbb: {  	[sflag:s26] =	ssyncset.done $0x0  }
0xbc: {  	s28 =	simm.s32 $0x9;
	[sflag:s26] =	ssyncadd.s32 $0xFFFFC000  }
0xbd: {  	_ =	swait.ge [sflag:s28], $0x4000  }
0xbe: {  	[sflag:s28] =	ssyncset.done $0x0  }
0xbf: {  	s30 =	simm.s32 $0xA;
	[sflag:s28] =	ssyncadd.s32 $0xFFFFC000  }
0xc0: {  	_ =	swait.ge [sflag:s30], $0x4000  }
0xc1: {  	s29 =	sadd.s32 $0x1, s29;
	s31 =	rddreg [dreg:$0x7]  }
0xc2: {  	p0 =	sne.s32 s29, s31  }
.Ltmp1:
0xc3: {  	_ = 	snop;
	(pc) =	sbr.rel @p0 .LBB2_1-.Ltmp1, $3  }
0xc4: {  	_ =	sdelay $0x1  }
0xc5: {  	[sflag:s30] =	ssyncset.done $0x0  }
0xc6: {  	[sflag:s30] =	ssyncadd.s32 $0xFFFFC000  }
0xc7: {  	_ =	sfence.sel $0x180000  }
0xc8: {  	[bflag:$0x0] =	sbarrier.arrive $0xFFFF  }
0xc9: {  	_ =	strace $0x90000047  }
0xca: {  	s0 =	stileid.u32;
	[bflag:$0x2] =	sbarrier.arrive $0xFFFF  }
0xcb: {  	p0 =	sne.s32 s0, $0x0;
	s0 =	rddreg [dreg:$0x3]  }
0xcc: {  	s0 =	sadd.s32 @!p0 $0x100000, s0  }
0xcd: {  	[sflag:s0] =	ssyncadd.tile.s32 @!p0 $0x1;
	_ =	shalt  }
.Lfunc_end2:
_tile_overlayer_lowered:
.L_overlay_start_2:
0xce: {  	(tag) =	ssettag $0x2  }
0xcf: {  	s0 =	rddreg [dreg:$0x0];
	s2 =	stileid.u32  }
0xd0: {  	s1 =	rddreg [dreg:$0x1];
	p0 =	sne.s32 s2, $0x0  }
0xd1: {  	s3 =	rddreg [dreg:$0x2];
	[bflag:$0x3] =	sbarrier.arrive $0xFFFF;
	s2 =	simm.s32 @!p0 $0x1C0B  }
0xd2: {  	[timem:s3], [sflag:s2] =	dma.local @!p0 [hbm:s0], s1  }
0xd3: {  	s0 =	simm.s32 @!p0 $0xB  }
0xd4: {  	_ =	swait.ge @!p0 [sflag:s0], s1  }
0xd5: {  	s1 =	ssub.s32 @!p0 $0x0, s1;
	[sflag:s0] =	ssyncset.done @!p0 $0x0  }
0xd6: {  	[sflag:s0] =	ssyncadd.s32 @!p0 s1  }
0xd7: {  	[bflag:$0x3] =	sbarrier.arrive $0xFFFF  }
0xd8: {  	_ =	shalt  }

</sc_bundles>
